<compile_context>
chip_gen: v7x
topology: tpu7x:2x2x1
jax: 0.10.2.dev20260603
libtpu: 0.0.44.dev20260713+nightly
codegen_flags: <defaults>
</compile_context>

<pallas_src>
import functools

import jax
import jax.numpy as jnp
from jax import lax
from jax.experimental import pallas as pl
from jax.experimental.pallas import tpu as pltpu
from jax.experimental.pallas import tpu_sc as plsc

BATCH = 16384
DIM = 64
VOCAB = 100000
NUM_CORES = 2
NUM_SUBCORES = 16
DIMS_PER_WORKER = DIM // (NUM_CORES * NUM_SUBCORES)
QUARTER = BATCH // 4
L = 16
GROUPS = QUARTER // L


def _sc_body(tbl_hbm, xt_hbm, lab_hbm, out_hbm, row_v, xrow_v, lab_v, dot_v,
             na_v, sem):
    core = lax.axis_index("c")
    sid = lax.axis_index("s")

    for d in range(DIMS_PER_WORKER):
        r = core * (NUM_SUBCORES * DIMS_PER_WORKER) + sid * DIMS_PER_WORKER + d
        c_row = pltpu.async_copy(tbl_hbm.at[r >> 3, r & 7], row_v, sem)
        c_x = pltpu.async_copy(xt_hbm.at[r >> 3, r & 7], xrow_v, sem)
        c_row.wait()
        c_x.wait()
        for q in range(4):
            pltpu.sync_copy(lab_hbm.at[pl.ds(q * QUARTER, QUARTER)], lab_v)

            @plsc.parallel_loop(0, GROUPS, unroll=8)
            def group(j, q=q):
                j16 = j * L
                lv = lab_v[pl.ds(j16, L)]
                dv = plsc.load_gather(row_v, [lv])
                xv = xrow_v[pl.ds(q * QUARTER + j16, L)]
                dot_v[pl.ds(j16, L)] = dv * xv
                na_v[pl.ds(j16, L)] = dv * dv

            pltpu.sync_copy(dot_v, out_hbm.at[r, pl.ds(q * QUARTER, QUARTER)])
            pltpu.sync_copy(
                na_v, out_hbm.at[r, pl.ds(BATCH + q * QUARTER, QUARTER)])


@jax.jit
def _sc_dot(tbl3, xt3, lab):
    mesh = plsc.VectorSubcoreMesh(core_axis_name="c", subcore_axis_name="s")
    f = functools.partial(
        pl.kernel,
        out_type=jax.ShapeDtypeStruct((DIM, 2 * BATCH), jnp.float32),
        mesh=mesh,
        scratch_types=[
            pltpu.VMEM((VOCAB,), jnp.float32),
            pltpu.VMEM((BATCH,), jnp.float32),
            pltpu.VMEM((QUARTER,), jnp.int32),
            pltpu.VMEM((QUARTER,), jnp.float32),
            pltpu.VMEM((QUARTER,), jnp.float32),
            pltpu.SemaphoreType.DMA,
        ],
        compiler_params=pltpu.CompilerParams(
            use_tc_tiling_on_sc=True, needs_layout_passes=False
        ),
    )(_sc_body)
    return f(tbl3, xt3, lab)


def _finish_body(p_ref, xt_ref, w_ref, s_ref):
    dot = jnp.sum(p_ref[:, :BATCH], axis=0, keepdims=True)
    na2 = jnp.sum(p_ref[:, BATCH:], axis=0, keepdims=True)
    xt = xt_ref[...]
    nb2 = jnp.sum(xt * xt, axis=0, keepdims=True)
    na = jnp.maximum(jnp.sqrt(na2), 1e-8)
    nb = jnp.maximum(jnp.sqrt(nb2), 1e-8)
    cos = dot / (na * nb)
    s_ref[...] = (jnp.sum(cos * w_ref[...]) * (-1.0 / BATCH)).reshape(1, 1)


@jax.jit
def _tc_finish(part, xt, w2):
    return pl.pallas_call(
        _finish_body,
        out_shape=jax.ShapeDtypeStruct((1, 1), jnp.float32),
    )(part, xt, w2)


def kernel(x, label, weight, embedding_matrix):
    tbl3 = embedding_matrix.T.reshape(8, 8, VOCAB)
    xt = x.T
    xt3 = xt.reshape(8, 8, BATCH)
    lab = label.astype(jnp.int32)
    part = _sc_dot(tbl3, xt3, lab)
    return _tc_finish(part, xt, weight.reshape(1, BATCH))[0, 0]

# --- scband reference (transcript-rebuilt; emitter-appended) ---
"""Pipeline reference for scband-label-embedding-20091857010846 (READ-ONLY COPY).

The authoritative reference and input builder live on the scoring server;
editing this copy changes nothing except your own understanding.
"""

import jax, jax.numpy as jnp
import numpy as np

NUM_CLASS = 100000
EMBED_DIM = 64
BATCH = 16384


def setup_inputs(seed: int = 0) -> dict:
    key = jax.random.key(seed)
    k1, k2, k3, k4 = jax.random.split(key, 4)
    x = jax.random.normal(k1, (BATCH, EMBED_DIM), dtype=jnp.float32)
    label = jax.random.randint(k2, (BATCH,), 0, NUM_CLASS, dtype=jnp.int64)
    weight = jax.random.uniform(k3, (BATCH,), dtype=jnp.float32)
    embedding_matrix = jax.random.normal(k4, (NUM_CLASS, EMBED_DIM), dtype=jnp.float32)
    return {"x": x, "label": label, "weight": weight, "embedding_matrix": embedding_matrix}


def _cosine_similarity(a, b, eps=1e-8):
    # Faithful to torch.cosine_similarity(dim=1): dot / (max(||a||, eps) * max(||b||, eps))
    num = jnp.sum(a * b, axis=1)
    na = jnp.maximum(jnp.sqrt(jnp.sum(a * a, axis=1)), eps)
    nb = jnp.maximum(jnp.sqrt(jnp.sum(b * b, axis=1)), eps)
    return num / (na * nb)


def reference(x, label, weight, embedding_matrix):
    # Embedding lookup (gather): maps to SparseCore-friendly row gather
    dense_label = jnp.take(embedding_matrix, label, axis=0)
    loss = _cosine_similarity(dense_label, x) * weight
    return -jnp.mean(loss)

if __name__ == "__main__":
    import jax
    _d = setup_inputs()
    print(jax.jit(kernel)(*tuple(_d.values())))

</pallas_src>

<mosaic_0001>
#map = affine_map<(d0, d1) -> (0, 0, 0)>
#map1 = affine_map<(d0, d1) -> (0)>
#map2 = affine_map<(d0, d1) -> (0, 0)>
module attributes {stable_mosaic.version = 14 : i64} {
  func.func @_sc_body(%arg0: i32, %arg1: i32, %arg2: memref<8x8x100000xf32, #tpu.memory_space<hbm>>, %arg3: memref<8x8x16384xf32, #tpu.memory_space<hbm>>, %arg4: memref<16384xi32, #tpu.memory_space<hbm>>, %arg5: memref<64x32768xf32, #tpu.memory_space<hbm>>, %arg6: memref<100000xf32, #tpu.memory_space<vmem>>, %arg7: memref<16384xf32, #tpu.memory_space<vmem>>, %arg8: memref<4096xi32, #tpu.memory_space<vmem>>, %arg9: memref<4096xf32, #tpu.memory_space<vmem>>, %arg10: memref<4096xf32, #tpu.memory_space<vmem>>, %arg11: memref<!tpu.dma_semaphore, #tpu.memory_space<semaphore_mem>>) attributes {dimension_semantics = [#tpu.dimension_semantics<core_parallel>, #tpu.dimension_semantics<subcore_parallel>], iteration_bounds = array<i64: 2, 16>, scalar_prefetch = 0 : i64, scratch_operands = 6 : i64, tpu.core_type = #tpu.core_type<sc_vector_subcore>, window_params = [{transform_indices = #map}, {transform_indices = #map}, {transform_indices = #map1}, {transform_indices = #map2}]} {
    %mul3A = arith.constant 32 : i32
    %mul3A_0 = arith.muli %arg0, %mul3A : i32
    %mul3A_1 = arith.constant 2 : i32
    %mul3A_2 = arith.muli %arg1, %mul3A_1 : i32
    %add3A = arith.addi %mul3A_0, %mul3A_2 : i32
    %add3A_3 = arith.constant 0 : i32
    %add3A_4 = arith.addi %add3A, %add3A_3 : i32
    %shift_right_arithmetic3A = arith.constant 3 : i32
    %shift_right_arithmetic3A_5 = arith.shrsi %add3A_4, %shift_right_arithmetic3A : i32
    %and3A = arith.constant 7 : i32
    %and3A_6 = arith.andi %add3A_4, %and3A : i32
    %dma_start3A = arith.constant 0 : i32
    %dma_start3A_7 = tpu.memref_slice %arg2[%shift_right_arithmetic3A_5, %and3A_6, %dma_start3A] : memref<8x8x100000xf32, #tpu.memory_space<hbm>> -> memref<1x1x100000xf32, #tpu.memory_space<hbm>>
    %dma_start3A_8 = tpu.memref_squeeze %dma_start3A_7 : memref<1x1x100000xf32, #tpu.memory_space<hbm>> -> memref<100000xf32, #tpu.memory_space<hbm>>
    %dma_start3A_9 = arith.constant 0 : i32
    %dma_start3A_10 = tpu.memref_slice %arg2[%shift_right_arithmetic3A_5, %and3A_6, %dma_start3A_9] : memref<8x8x100000xf32, #tpu.memory_space<hbm>> -> memref<1x1x100000xf32, #tpu.memory_space<hbm>>
    %dma_start3A_11 = tpu.memref_squeeze %dma_start3A_10 : memref<1x1x100000xf32, #tpu.memory_space<hbm>> -> memref<100000xf32, #tpu.memory_space<hbm>>
    tpu.enqueue_dma source(%dma_start3A_11 : memref<100000xf32, #tpu.memory_space<hbm>>) target(%arg6 : memref<100000xf32, #tpu.memory_space<vmem>>) target_semaphore(%arg11 : memref<!tpu.dma_semaphore, #tpu.memory_space<semaphore_mem>>)
    %shift_right_arithmetic3A_12 = arith.constant 3 : i32
    %shift_right_arithmetic3A_13 = arith.shrsi %add3A_4, %shift_right_arithmetic3A_12 : i32
    %and3A_14 = arith.constant 7 : i32
    %and3A_15 = arith.andi %add3A_4, %and3A_14 : i32
    %dma_start3A_16 = arith.constant 0 : i32
    %dma_start3A_17 = tpu.memref_slice %arg3[%shift_right_arithmetic3A_13, %and3A_15, %dma_start3A_16] : memref<8x8x16384xf32, #tpu.memory_space<hbm>> -> memref<1x1x16384xf32, #tpu.memory_space<hbm>>
    %dma_start3A_18 = tpu.memref_squeeze %dma_start3A_17 : memref<1x1x16384xf32, #tpu.memory_space<hbm>> -> memref<16384xf32, #tpu.memory_space<hbm>>
    %dma_start3A_19 = arith.constant 0 : i32
    %dma_start3A_20 = tpu.memref_slice %arg3[%shift_right_arithmetic3A_13, %and3A_15, %dma_start3A_19] : memref<8x8x16384xf32, #tpu.memory_space<hbm>> -> memref<1x1x16384xf32, #tpu.memory_space<hbm>>
    %dma_start3A_21 = tpu.memref_squeeze %dma_start3A_20 : memref<1x1x16384xf32, #tpu.memory_space<hbm>> -> memref<16384xf32, #tpu.memory_space<hbm>>
    tpu.enqueue_dma source(%dma_start3A_21 : memref<16384xf32, #tpu.memory_space<hbm>>) target(%arg7 : memref<16384xf32, #tpu.memory_space<vmem>>) target_semaphore(%arg11 : memref<!tpu.dma_semaphore, #tpu.memory_space<semaphore_mem>>)
    %dma_wait3A = arith.constant 0 : i32
    %dma_wait3A_22 = tpu.memref_slice %arg2[%shift_right_arithmetic3A_5, %and3A_6, %dma_wait3A] : memref<8x8x100000xf32, #tpu.memory_space<hbm>> -> memref<1x1x100000xf32, #tpu.memory_space<hbm>>
    %dma_wait3A_23 = tpu.memref_squeeze %dma_wait3A_22 : memref<1x1x100000xf32, #tpu.memory_space<hbm>> -> memref<100000xf32, #tpu.memory_space<hbm>>
    %dma_wait3A_24 = arith.constant 0 : i32
    %dma_wait3A_25 = tpu.memref_slice %arg2[%shift_right_arithmetic3A_5, %and3A_6, %dma_wait3A_24] : memref<8x8x100000xf32, #tpu.memory_space<hbm>> -> memref<1x1x100000xf32, #tpu.memory_space<hbm>>
    %dma_wait3A_26 = tpu.memref_squeeze %dma_wait3A_25 : memref<1x1x100000xf32, #tpu.memory_space<hbm>> -> memref<100000xf32, #tpu.memory_space<hbm>>
    tpu.wait_dma2 semaphore(%arg11 : memref<!tpu.dma_semaphore, #tpu.memory_space<semaphore_mem>>) src(%dma_wait3A_26 : memref<100000xf32, #tpu.memory_space<hbm>>) dst(%arg6 : memref<100000xf32, #tpu.memory_space<vmem>>)
    %dma_wait3A_27 = arith.constant 0 : i32
    %dma_wait3A_28 = tpu.memref_slice %arg3[%shift_right_arithmetic3A_13, %and3A_15, %dma_wait3A_27] : memref<8x8x16384xf32, #tpu.memory_space<hbm>> -> memref<1x1x16384xf32, #tpu.memory_space<hbm>>
    %dma_wait3A_29 = tpu.memref_squeeze %dma_wait3A_28 : memref<1x1x16384xf32, #tpu.memory_space<hbm>> -> memref<16384xf32, #tpu.memory_space<hbm>>
    %dma_wait3A_30 = arith.constant 0 : i32
    %dma_wait3A_31 = tpu.memref_slice %arg3[%shift_right_arithmetic3A_13, %and3A_15, %dma_wait3A_30] : memref<8x8x16384xf32, #tpu.memory_space<hbm>> -> memref<1x1x16384xf32, #tpu.memory_space<hbm>>
    %dma_wait3A_32 = tpu.memref_squeeze %dma_wait3A_31 : memref<1x1x16384xf32, #tpu.memory_space<hbm>> -> memref<16384xf32, #tpu.memory_space<hbm>>
    tpu.wait_dma2 semaphore(%arg11 : memref<!tpu.dma_semaphore, #tpu.memory_space<semaphore_mem>>) src(%dma_wait3A_32 : memref<16384xf32, #tpu.memory_space<hbm>>) dst(%arg7 : memref<16384xf32, #tpu.memory_space<vmem>>)
    "tpu.region"() ({
      %run_scoped3A = tpu.sem_alloc : memref<!tpu.dma_semaphore, #tpu.memory_space<semaphore_mem>>
      %dma_start3A_95 = arith.constant 0 : i32
      %dma_start3A_96 = tpu.memref_slice %arg4[%dma_start3A_95] : memref<16384xi32, #tpu.memory_space<hbm>> -> memref<4096xi32, #tpu.memory_space<hbm>>
      %dma_start3A_97 = arith.constant 0 : i32
      %dma_start3A_98 = tpu.memref_slice %arg4[%dma_start3A_97] : memref<16384xi32, #tpu.memory_space<hbm>> -> memref<4096xi32, #tpu.memory_space<hbm>>
      tpu.enqueue_dma source(%dma_start3A_98 : memref<4096xi32, #tpu.memory_space<hbm>>) target(%arg8 : memref<4096xi32, #tpu.memory_space<vmem>>) target_semaphore(%run_scoped3A : memref<!tpu.dma_semaphore, #tpu.memory_space<semaphore_mem>>)
      %dma_wait3A_99 = arith.constant 0 : i32
      %dma_wait3A_100 = tpu.memref_slice %arg4[%dma_wait3A_99] : memref<16384xi32, #tpu.memory_space<hbm>> -> memref<4096xi32, #tpu.memory_space<hbm>>
      %dma_wait3A_101 = arith.constant 0 : i32
      %dma_wait3A_102 = tpu.memref_slice %arg4[%dma_wait3A_101] : memref<16384xi32, #tpu.memory_space<hbm>> -> memref<4096xi32, #tpu.memory_space<hbm>>
      tpu.wait_dma2 semaphore(%run_scoped3A : memref<!tpu.dma_semaphore, #tpu.memory_space<semaphore_mem>>) src(%dma_wait3A_102 : memref<4096xi32, #tpu.memory_space<hbm>>) dst(%arg8 : memref<4096xi32, #tpu.memory_space<vmem>>)
      tpu.yield
    }) : () -> ()
    %parallel_loop3A = arith.constant 0 : i32
    %parallel_loop3A_33 = arith.constant 256 : i32
    %parallel_loop3A_34 = arith.constant 1 : i32
    scf.for %parallel_loop3A_95 = %parallel_loop3A to %parallel_loop3A_33 step %parallel_loop3A_34  : i32 {
      %parallel_loop3A_96 = arith.constant 16 : i32
      %parallel_loop3A_97 = arith.muli %parallel_loop3A_95, %parallel_loop3A_96 : i32
      %parallel_loop3A_98 = arith.index_cast %parallel_loop3A_97 : i32 to index
      %parallel_loop3A_99 = tpu.vector_load %arg8[%parallel_loop3A_98] {strides = array<i32>} : memref<4096xi32, #tpu.memory_space<vmem>>, vector<16xi32>,
      %parallel_loop3A_100 = tpu.vector_load_idx %arg6[%parallel_loop3A_99] : memref<100000xf32, #tpu.memory_space<vmem>>[vector<16xi32>], vector<16xf32>,
      %parallel_loop3A_101 = arith.constant 0 : i32
      %parallel_loop3A_102 = arith.addi %parallel_loop3A_101, %parallel_loop3A_97 : i32
      %parallel_loop3A_103 = arith.index_cast %parallel_loop3A_102 : i32 to index
      %parallel_loop3A_104 = tpu.vector_load %arg7[%parallel_loop3A_103] {strides = array<i32>} : memref<16384xf32, #tpu.memory_space<vmem>>, vector<16xf32>,
      %parallel_loop3A_105 = arith.mulf %parallel_loop3A_100, %parallel_loop3A_104 : vector<16xf32>
      %parallel_loop3A_106 = arith.index_cast %parallel_loop3A_97 : i32 to index
      %parallel_loop3A_107 = tpu.vector_load %arg9[%parallel_loop3A_106] {strides = array<i32>} : memref<4096xf32, #tpu.memory_space<vmem>>, vector<16xf32>,
      tpu.vector_store %arg9[%parallel_loop3A_106], %parallel_loop3A_105 {strides = array<i32>} : memref<4096xf32, #tpu.memory_space<vmem>>, vector<16xf32>,
      %parallel_loop3A_108 = arith.mulf %parallel_loop3A_100, %parallel_loop3A_100 : vector<16xf32>
      %parallel_loop3A_109 = arith.index_cast %parallel_loop3A_97 : i32 to index
      %parallel_loop3A_110 = tpu.vector_load %arg10[%parallel_loop3A_109] {strides = array<i32>} : memref<4096xf32, #tpu.memory_space<vmem>>, vector<16xf32>,
      tpu.vector_store %arg10[%parallel_loop3A_109], %parallel_loop3A_108 {strides = array<i32>} : memref<4096xf32, #tpu.memory_space<vmem>>, vector<16xf32>,
    } {sc.loop_unroll_factor = 8 : i64, sc.parallel_access}
    "tpu.region"() ({
      %run_scoped3A = tpu.sem_alloc : memref<!tpu.dma_semaphore, #tpu.memory_space<semaphore_mem>>
      %dma_start3A_95 = arith.constant 0 : i32
      %dma_start3A_96 = tpu.memref_slice %arg5[%add3A_4, %dma_start3A_95] : memref<64x32768xf32, #tpu.memory_space<hbm>> -> memref<1x4096xf32, #tpu.memory_space<hbm>>
      %dma_start3A_97 = tpu.memref_squeeze %dma_start3A_96 : memref<1x4096xf32, #tpu.memory_space<hbm>> -> memref<4096xf32, #tpu.memory_space<hbm>>
      %dma_start3A_98 = arith.constant 0 : i32
      %dma_start3A_99 = tpu.memref_slice %arg5[%add3A_4, %dma_start3A_98] : memref<64x32768xf32, #tpu.memory_space<hbm>> -> memref<1x4096xf32, #tpu.memory_space<hbm>>
      %dma_start3A_100 = tpu.memref_squeeze %dma_start3A_99 : memref<1x4096xf32, #tpu.memory_space<hbm>> -> memref<4096xf32, #tpu.memory_space<hbm>>
      tpu.enqueue_dma source(%arg9 : memref<4096xf32, #tpu.memory_space<vmem>>) target(%dma_start3A_100 : memref<4096xf32, #tpu.memory_space<hbm>>) target_semaphore(%run_scoped3A : memref<!tpu.dma_semaphore, #tpu.memory_space<semaphore_mem>>)
      %dma_wait3A_101 = arith.constant 0 : i32
      %dma_wait3A_102 = tpu.memref_slice %arg5[%add3A_4, %dma_wait3A_101] : memref<64x32768xf32, #tpu.memory_space<hbm>> -> memref<1x4096xf32, #tpu.memory_space<hbm>>
      %dma_wait3A_103 = tpu.memref_squeeze %dma_wait3A_102 : memref<1x4096xf32, #tpu.memory_space<hbm>> -> memref<4096xf32, #tpu.memory_space<hbm>>
      %dma_wait3A_104 = arith.constant 0 : i32
      %dma_wait3A_105 = tpu.memref_slice %arg5[%add3A_4, %dma_wait3A_104] : memref<64x32768xf32, #tpu.memory_space<hbm>> -> memref<1x4096xf32, #tpu.memory_space<hbm>>
      %dma_wait3A_106 = tpu.memref_squeeze %dma_wait3A_105 : memref<1x4096xf32, #tpu.memory_space<hbm>> -> memref<4096xf32, #tpu.memory_space<hbm>>
      tpu.wait_dma2 semaphore(%run_scoped3A : memref<!tpu.dma_semaphore, #tpu.memory_space<semaphore_mem>>) src(%arg9 : memref<4096xf32, #tpu.memory_space<vmem>>) dst(%dma_wait3A_106 : memref<4096xf32, #tpu.memory_space<hbm>>)
      tpu.yield
    }) : () -> ()
    "tpu.region"() ({
      %run_scoped3A = tpu.sem_alloc : memref<!tpu.dma_semaphore, #tpu.memory_space<semaphore_mem>>
      %dma_start3A_95 = arith.constant 16384 : i32
      %dma_start3A_96 = tpu.memref_slice %arg5[%add3A_4, %dma_start3A_95] : memref<64x32768xf32, #tpu.memory_space<hbm>> -> memref<1x4096xf32, #tpu.memory_space<hbm>>
      %dma_start3A_97 = tpu.memref_squeeze %dma_start3A_96 : memref<1x4096xf32, #tpu.memory_space<hbm>> -> memref<4096xf32, #tpu.memory_space<hbm>>
      %dma_start3A_98 = arith.constant 16384 : i32
      %dma_start3A_99 = tpu.memref_slice %arg5[%add3A_4, %dma_start3A_98] : memref<64x32768xf32, #tpu.memory_space<hbm>> -> memref<1x4096xf32, #tpu.memory_space<hbm>>
      %dma_start3A_100 = tpu.memref_squeeze %dma_start3A_99 : memref<1x4096xf32, #tpu.memory_space<hbm>> -> memref<4096xf32, #tpu.memory_space<hbm>>
      tpu.enqueue_dma source(%arg10 : memref<4096xf32, #tpu.memory_space<vmem>>) target(%dma_start3A_100 : memref<4096xf32, #tpu.memory_space<hbm>>) target_semaphore(%run_scoped3A : memref<!tpu.dma_semaphore, #tpu.memory_space<semaphore_mem>>)
      %dma_wait3A_101 = arith.constant 16384 : i32
      %dma_wait3A_102 = tpu.memref_slice %arg5[%add3A_4, %dma_wait3A_101] : memref<64x32768xf32, #tpu.memory_space<hbm>> -> memref<1x4096xf32, #tpu.memory_space<hbm>>
      %dma_wait3A_103 = tpu.memref_squeeze %dma_wait3A_102 : memref<1x4096xf32, #tpu.memory_space<hbm>> -> memref<4096xf32, #tpu.memory_space<hbm>>
      %dma_wait3A_104 = arith.constant 16384 : i32
      %dma_wait3A_105 = tpu.memref_slice %arg5[%add3A_4, %dma_wait3A_104] : memref<64x32768xf32, #tpu.memory_space<hbm>> -> memref<1x4096xf32, #tpu.memory_space<hbm>>
      %dma_wait3A_106 = tpu.memref_squeeze %dma_wait3A_105 : memref<1x4096xf32, #tpu.memory_space<hbm>> -> memref<4096xf32, #tpu.memory_space<hbm>>
      tpu.wait_dma2 semaphore(%run_scoped3A : memref<!tpu.dma_semaphore, #tpu.memory_space<semaphore_mem>>) src(%arg10 : memref<4096xf32, #tpu.memory_space<vmem>>) dst(%dma_wait3A_106 : memref<4096xf32, #tpu.memory_space<hbm>>)
      tpu.yield
    }) : () -> ()
    "tpu.region"() ({
      %run_scoped3A = tpu.sem_alloc : memref<!tpu.dma_semaphore, #tpu.memory_space<semaphore_mem>>
      %dma_start3A_95 = arith.constant 4096 : i32
      %dma_start3A_96 = tpu.memref_slice %arg4[%dma_start3A_95] : memref<16384xi32, #tpu.memory_space<hbm>> -> memref<4096xi32, #tpu.memory_space<hbm>>
      %dma_start3A_97 = arith.constant 4096 : i32
      %dma_start3A_98 = tpu.memref_slice %arg4[%dma_start3A_97] : memref<16384xi32, #tpu.memory_space<hbm>> -> memref<4096xi32, #tpu.memory_space<hbm>>
      tpu.enqueue_dma source(%dma_start3A_98 : memref<4096xi32, #tpu.memory_space<hbm>>) target(%arg8 : memref<4096xi32, #tpu.memory_space<vmem>>) target_semaphore(%run_scoped3A : memref<!tpu.dma_semaphore, #tpu.memory_space<semaphore_mem>>)
      %dma_wait3A_99 = arith.constant 4096 : i32
      %dma_wait3A_100 = tpu.memref_slice %arg4[%dma_wait3A_99] : memref<16384xi32, #tpu.memory_space<hbm>> -> memref<4096xi32, #tpu.memory_space<hbm>>
      %dma_wait3A_101 = arith.constant 4096 : i32
      %dma_wait3A_102 = tpu.memref_slice %arg4[%dma_wait3A_101] : memref<16384xi32, #tpu.memory_space<hbm>> -> memref<4096xi32, #tpu.memory_space<hbm>>
      tpu.wait_dma2 semaphore(%run_scoped3A : memref<!tpu.dma_semaphore, #tpu.memory_space<semaphore_mem>>) src(%dma_wait3A_102 : memref<4096xi32, #tpu.memory_space<hbm>>) dst(%arg8 : memref<4096xi32, #tpu.memory_space<vmem>>)
      tpu.yield
    }) : () -> ()
    %parallel_loop3A_35 = arith.constant 0 : i32
    %parallel_loop3A_36 = arith.constant 256 : i32
    %parallel_loop3A_37 = arith.constant 1 : i32
    scf.for %parallel_loop3A_95 = %parallel_loop3A_35 to %parallel_loop3A_36 step %parallel_loop3A_37  : i32 {
      %parallel_loop3A_96 = arith.constant 16 : i32
      %parallel_loop3A_97 = arith.muli %parallel_loop3A_95, %parallel_loop3A_96 : i32
      %parallel_loop3A_98 = arith.index_cast %parallel_loop3A_97 : i32 to index
      %parallel_loop3A_99 = tpu.vector_load %arg8[%parallel_loop3A_98] {strides = array<i32>} : memref<4096xi32, #tpu.memory_space<vmem>>, vector<16xi32>,
      %parallel_loop3A_100 = tpu.vector_load_idx %arg6[%parallel_loop3A_99] : memref<100000xf32, #tpu.memory_space<vmem>>[vector<16xi32>], vector<16xf32>,
      %parallel_loop3A_101 = arith.constant 4096 : i32
      %parallel_loop3A_102 = arith.addi %parallel_loop3A_101, %parallel_loop3A_97 : i32
      %parallel_loop3A_103 = arith.index_cast %parallel_loop3A_102 : i32 to index
      %parallel_loop3A_104 = tpu.vector_load %arg7[%parallel_loop3A_103] {strides = array<i32>} : memref<16384xf32, #tpu.memory_space<vmem>>, vector<16xf32>,
      %parallel_loop3A_105 = arith.mulf %parallel_loop3A_100, %parallel_loop3A_104 : vector<16xf32>
      %parallel_loop3A_106 = arith.index_cast %parallel_loop3A_97 : i32 to index
      %parallel_loop3A_107 = tpu.vector_load %arg9[%parallel_loop3A_106] {strides = array<i32>} : memref<4096xf32, #tpu.memory_space<vmem>>, vector<16xf32>,
      tpu.vector_store %arg9[%parallel_loop3A_106], %parallel_loop3A_105 {strides = array<i32>} : memref<4096xf32, #tpu.memory_space<vmem>>, vector<16xf32>,
      %parallel_loop3A_108 = arith.mulf %parallel_loop3A_100, %parallel_loop3A_100 : vector<16xf32>
      %parallel_loop3A_109 = arith.index_cast %parallel_loop3A_97 : i32 to index
      %parallel_loop3A_110 = tpu.vector_load %arg10[%parallel_loop3A_109] {strides = array<i32>} : memref<4096xf32, #tpu.memory_space<vmem>>, vector<16xf32>,
      tpu.vector_store %arg10[%parallel_loop3A_109], %parallel_loop3A_108 {strides = array<i32>} : memref<4096xf32, #tpu.memory_space<vmem>>, vector<16xf32>,
    } {sc.loop_unroll_factor = 8 : i64, sc.parallel_access}
    "tpu.region"() ({
      %run_scoped3A = tpu.sem_alloc : memref<!tpu.dma_semaphore, #tpu.memory_space<semaphore_mem>>
      %dma_start3A_95 = arith.constant 4096 : i32
      %dma_start3A_96 = tpu.memref_slice %arg5[%add3A_4, %dma_start3A_95] : memref<64x32768xf32, #tpu.memory_space<hbm>> -> memref<1x4096xf32, #tpu.memory_space<hbm>>
      %dma_start3A_97 = tpu.memref_squeeze %dma_start3A_96 : memref<1x4096xf32, #tpu.memory_space<hbm>> -> memref<4096xf32, #tpu.memory_space<hbm>>
      %dma_start3A_98 = arith.constant 4096 : i32
      %dma_start3A_99 = tpu.memref_slice %arg5[%add3A_4, %dma_start3A_98] : memref<64x32768xf32, #tpu.memory_space<hbm>> -> memref<1x4096xf32, #tpu.memory_space<hbm>>
      %dma_start3A_100 = tpu.memref_squeeze %dma_start3A_99 : memref<1x4096xf32, #tpu.memory_space<hbm>> -> memref<4096xf32, #tpu.memory_space<hbm>>
      tpu.enqueue_dma source(%arg9 : memref<4096xf32, #tpu.memory_space<vmem>>) target(%dma_start3A_100 : memref<4096xf32, #tpu.memory_space<hbm>>) target_semaphore(%run_scoped3A : memref<!tpu.dma_semaphore, #tpu.memory_space<semaphore_mem>>)
      %dma_wait3A_101 = arith.constant 4096 : i32
      %dma_wait3A_102 = tpu.memref_slice %arg5[%add3A_4, %dma_wait3A_101] : memref<64x32768xf32, #tpu.memory_space<hbm>> -> memref<1x4096xf32, #tpu.memory_space<hbm>>
      %dma_wait3A_103 = tpu.memref_squeeze %dma_wait3A_102 : memref<1x4096xf32, #tpu.memory_space<hbm>> -> memref<4096xf32, #tpu.memory_space<hbm>>
      %dma_wait3A_104 = arith.constant 4096 : i32
      %dma_wait3A_105 = tpu.memref_slice %arg5[%add3A_4, %dma_wait3A_104] : memref<64x32768xf32, #tpu.memory_space<hbm>> -> memref<1x4096xf32, #tpu.memory_space<hbm>>
      %dma_wait3A_106 = tpu.memref_squeeze %dma_wait3A_105 : memref<1x4096xf32, #tpu.memory_space<hbm>> -> memref<4096xf32, #tpu.memory_space<hbm>>
      tpu.wait_dma2 semaphore(%run_scoped3A : memref<!tpu.dma_semaphore, #tpu.memory_space<semaphore_mem>>) src(%arg9 : memref<4096xf32, #tpu.memory_space<vmem>>) dst(%dma_wait3A_106 : memref<4096xf32, #tpu.memory_space<hbm>>)
      tpu.yield
    }) : () -> ()
    "tpu.region"() ({
      %run_scoped3A = tpu.sem_alloc : memref<!tpu.dma_semaphore, #tpu.memory_space<semaphore_mem>>
      %dma_start3A_95 = arith.constant 20480 : i32
      %dma_start3A_96 = tpu.memref_slice %arg5[%add3A_4, %dma_start3A_95] : memref<64x32768xf32, #tpu.memory_space<hbm>> -> memref<1x4096xf32, #tpu.memory_space<hbm>>
      %dma_start3A_97 = tpu.memref_squeeze %dma_start3A_96 : memref<1x4096xf32, #tpu.memory_space<hbm>> -> memref<4096xf32, #tpu.memory_space<hbm>>
      %dma_start3A_98 = arith.constant 20480 : i32
      %dma_start3A_99 = tpu.memref_slice %arg5[%add3A_4, %dma_start3A_98] : memref<64x32768xf32, #tpu.memory_space<hbm>> -> memref<1x4096xf32, #tpu.memory_space<hbm>>
      %dma_start3A_100 = tpu.memref_squeeze %dma_start3A_99 : memref<1x4096xf32, #tpu.memory_space<hbm>> -> memref<4096xf32, #tpu.memory_space<hbm>>
      tpu.enqueue_dma source(%arg10 : memref<4096xf32, #tpu.memory_space<vmem>>) target(%dma_start3A_100 : memref<4096xf32, #tpu.memory_space<hbm>>) target_semaphore(%run_scoped3A : memref<!tpu.dma_semaphore, #tpu.memory_space<semaphore_mem>>)
      %dma_wait3A_101 = arith.constant 20480 : i32
      %dma_wait3A_102 = tpu.memref_slice %arg5[%add3A_4, %dma_wait3A_101] : memref<64x32768xf32, #tpu.memory_space<hbm>> -> memref<1x4096xf32, #tpu.memory_space<hbm>>
      %dma_wait3A_103 = tpu.memref_squeeze %dma_wait3A_102 : memref<1x4096xf32, #tpu.memory_space<hbm>> -> memref<4096xf32, #tpu.memory_space<hbm>>
      %dma_wait3A_104 = arith.constant 20480 : i32
      %dma_wait3A_105 = tpu.memref_slice %arg5[%add3A_4, %dma_wait3A_104] : memref<64x32768xf32, #tpu.memory_space<hbm>> -> memref<1x4096xf32, #tpu.memory_space<hbm>>
      %dma_wait3A_106 = tpu.memref_squeeze %dma_wait3A_105 : memref<1x4096xf32, #tpu.memory_space<hbm>> -> memref<4096xf32, #tpu.memory_space<hbm>>
      tpu.wait_dma2 semaphore(%run_scoped3A : memref<!tpu.dma_semaphore, #tpu.memory_space<semaphore_mem>>) src(%arg10 : memref<4096xf32, #tpu.memory_space<vmem>>) dst(%dma_wait3A_106 : memref<4096xf32, #tpu.memory_space<hbm>>)
      tpu.yield
    }) : () -> ()
    "tpu.region"() ({
      %run_scoped3A = tpu.sem_alloc : memref<!tpu.dma_semaphore, #tpu.memory_space<semaphore_mem>>
      %dma_start3A_95 = arith.constant 8192 : i32
      %dma_start3A_96 = tpu.memref_slice %arg4[%dma_start3A_95] : memref<16384xi32, #tpu.memory_space<hbm>> -> memref<4096xi32, #tpu.memory_space<hbm>>
      %dma_start3A_97 = arith.constant 8192 : i32
      %dma_start3A_98 = tpu.memref_slice %arg4[%dma_start3A_97] : memref<16384xi32, #tpu.memory_space<hbm>> -> memref<4096xi32, #tpu.memory_space<hbm>>
      tpu.enqueue_dma source(%dma_start3A_98 : memref<4096xi32, #tpu.memory_space<hbm>>) target(%arg8 : memref<4096xi32, #tpu.memory_space<vmem>>) target_semaphore(%run_scoped3A : memref<!tpu.dma_semaphore, #tpu.memory_space<semaphore_mem>>)
      %dma_wait3A_99 = arith.constant 8192 : i32
      %dma_wait3A_100 = tpu.memref_slice %arg4[%dma_wait3A_99] : memref<16384xi32, #tpu.memory_space<hbm>> -> memref<4096xi32, #tpu.memory_space<hbm>>
      %dma_wait3A_101 = arith.constant 8192 : i32
      %dma_wait3A_102 = tpu.memref_slice %arg4[%dma_wait3A_101] : memref<16384xi32, #tpu.memory_space<hbm>> -> memref<4096xi32, #tpu.memory_space<hbm>>
      tpu.wait_dma2 semaphore(%run_scoped3A : memref<!tpu.dma_semaphore, #tpu.memory_space<semaphore_mem>>) src(%dma_wait3A_102 : memref<4096xi32, #tpu.memory_space<hbm>>) dst(%arg8 : memref<4096xi32, #tpu.memory_space<vmem>>)
      tpu.yield
    }) : () -> ()
    %parallel_loop3A_38 = arith.constant 0 : i32
    %parallel_loop3A_39 = arith.constant 256 : i32
    %parallel_loop3A_40 = arith.constant 1 : i32
    scf.for %parallel_loop3A_95 = %parallel_loop3A_38 to %parallel_loop3A_39 step %parallel_loop3A_40  : i32 {
      %parallel_loop3A_96 = arith.constant 16 : i32
      %parallel_loop3A_97 = arith.muli %parallel_loop3A_95, %parallel_loop3A_96 : i32
      %parallel_loop3A_98 = arith.index_cast %parallel_loop3A_97 : i32 to index
      %parallel_loop3A_99 = tpu.vector_load %arg8[%parallel_loop3A_98] {strides = array<i32>} : memref<4096xi32, #tpu.memory_space<vmem>>, vector<16xi32>,
      %parallel_loop3A_100 = tpu.vector_load_idx %arg6[%parallel_loop3A_99] : memref<100000xf32, #tpu.memory_space<vmem>>[vector<16xi32>], vector<16xf32>,
      %parallel_loop3A_101 = arith.constant 8192 : i32
      %parallel_loop3A_102 = arith.addi %parallel_loop3A_101, %parallel_loop3A_97 : i32
      %parallel_loop3A_103 = arith.index_cast %parallel_loop3A_102 : i32 to index
      %parallel_loop3A_104 = tpu.vector_load %arg7[%parallel_loop3A_103] {strides = array<i32>} : memref<16384xf32, #tpu.memory_space<vmem>>, vector<16xf32>,
      %parallel_loop3A_105 = arith.mulf %parallel_loop3A_100, %parallel_loop3A_104 : vector<16xf32>
      %parallel_loop3A_106 = arith.index_cast %parallel_loop3A_97 : i32 to index
      %parallel_loop3A_107 = tpu.vector_load %arg9[%parallel_loop3A_106] {strides = array<i32>} : memref<4096xf32, #tpu.memory_space<vmem>>, vector<16xf32>,
      tpu.vector_store %arg9[%parallel_loop3A_106], %parallel_loop3A_105 {strides = array<i32>} : memref<4096xf32, #tpu.memory_space<vmem>>, vector<16xf32>,
      %parallel_loop3A_108 = arith.mulf %parallel_loop3A_100, %parallel_loop3A_100 : vector<16xf32>
      %parallel_loop3A_109 = arith.index_cast %parallel_loop3A_97 : i32 to index
      %parallel_loop3A_110 = tpu.vector_load %arg10[%parallel_loop3A_109] {strides = array<i32>} : memref<4096xf32, #tpu.memory_space<vmem>>, vector<16xf32>,
      tpu.vector_store %arg10[%parallel_loop3A_109], %parallel_loop3A_108 {strides = array<i32>} : memref<4096xf32, #tpu.memory_space<vmem>>, vector<16xf32>,
    } {sc.loop_unroll_factor = 8 : i64, sc.parallel_access}
    "tpu.region"() ({
      %run_scoped3A = tpu.sem_alloc : memref<!tpu.dma_semaphore, #tpu.memory_space<semaphore_mem>>
      %dma_start3A_95 = arith.constant 8192 : i32
      %dma_start3A_96 = tpu.memref_slice %arg5[%add3A_4, %dma_start3A_95] : memref<64x32768xf32, #tpu.memory_space<hbm>> -> memref<1x4096xf32, #tpu.memory_space<hbm>>
      %dma_start3A_97 = tpu.memref_squeeze %dma_start3A_96 : memref<1x4096xf32, #tpu.memory_space<hbm>> -> memref<4096xf32, #tpu.memory_space<hbm>>
      %dma_start3A_98 = arith.constant 8192 : i32
      %dma_start3A_99 = tpu.memref_slice %arg5[%add3A_4, %dma_start3A_98] : memref<64x32768xf32, #tpu.memory_space<hbm>> -> memref<1x4096xf32, #tpu.memory_space<hbm>>
      %dma_start3A_100 = tpu.memref_squeeze %dma_start3A_99 : memref<1x4096xf32, #tpu.memory_space<hbm>> -> memref<4096xf32, #tpu.memory_space<hbm>>
      tpu.enqueue_dma source(%arg9 : memref<4096xf32, #tpu.memory_space<vmem>>) target(%dma_start3A_100 : memref<4096xf32, #tpu.memory_space<hbm>>) target_semaphore(%run_scoped3A : memref<!tpu.dma_semaphore, #tpu.memory_space<semaphore_mem>>)
      %dma_wait3A_101 = arith.constant 8192 : i32
      %dma_wait3A_102 = tpu.memref_slice %arg5[%add3A_4, %dma_wait3A_101] : memref<64x32768xf32, #tpu.memory_space<hbm>> -> memref<1x4096xf32, #tpu.memory_space<hbm>>
      %dma_wait3A_103 = tpu.memref_squeeze %dma_wait3A_102 : memref<1x4096xf32, #tpu.memory_space<hbm>> -> memref<4096xf32, #tpu.memory_space<hbm>>
      %dma_wait3A_104 = arith.constant 8192 : i32
      %dma_wait3A_105 = tpu.memref_slice %arg5[%add3A_4, %dma_wait3A_104] : memref<64x32768xf32, #tpu.memory_space<hbm>> -> memref<1x4096xf32, #tpu.memory_space<hbm>>
      %dma_wait3A_106 = tpu.memref_squeeze %dma_wait3A_105 : memref<1x4096xf32, #tpu.memory_space<hbm>> -> memref<4096xf32, #tpu.memory_space<hbm>>
      tpu.wait_dma2 semaphore(%run_scoped3A : memref<!tpu.dma_semaphore, #tpu.memory_space<semaphore_mem>>) src(%arg9 : memref<4096xf32, #tpu.memory_space<vmem>>) dst(%dma_wait3A_106 : memref<4096xf32, #tpu.memory_space<hbm>>)
      tpu.yield
    }) : () -> ()
    "tpu.region"() ({
      %run_scoped3A = tpu.sem_alloc : memref<!tpu.dma_semaphore, #tpu.memory_space<semaphore_mem>>
      %dma_start3A_95 = arith.constant 24576 : i32
      %dma_start3A_96 = tpu.memref_slice %arg5[%add3A_4, %dma_start3A_95] : memref<64x32768xf32, #tpu.memory_space<hbm>> -> memref<1x4096xf32, #tpu.memory_space<hbm>>
      %dma_start3A_97 = tpu.memref_squeeze %dma_start3A_96 : memref<1x4096xf32, #tpu.memory_space<hbm>> -> memref<4096xf32, #tpu.memory_space<hbm>>
      %dma_start3A_98 = arith.constant 24576 : i32
      %dma_start3A_99 = tpu.memref_slice %arg5[%add3A_4, %dma_start3A_98] : memref<64x32768xf32, #tpu.memory_space<hbm>> -> memref<1x4096xf32, #tpu.memory_space<hbm>>
      %dma_start3A_100 = tpu.memref_squeeze %dma_start3A_99 : memref<1x4096xf32, #tpu.memory_space<hbm>> -> memref<4096xf32, #tpu.memory_space<hbm>>
      tpu.enqueue_dma source(%arg10 : memref<4096xf32, #tpu.memory_space<vmem>>) target(%dma_start3A_100 : memref<4096xf32, #tpu.memory_space<hbm>>) target_semaphore(%run_scoped3A : memref<!tpu.dma_semaphore, #tpu.memory_space<semaphore_mem>>)
      %dma_wait3A_101 = arith.constant 24576 : i32
      %dma_wait3A_102 = tpu.memref_slice %arg5[%add3A_4, %dma_wait3A_101] : memref<64x32768xf32, #tpu.memory_space<hbm>> -> memref<1x4096xf32, #tpu.memory_space<hbm>>
      %dma_wait3A_103 = tpu.memref_squeeze %dma_wait3A_102 : memref<1x4096xf32, #tpu.memory_space<hbm>> -> memref<4096xf32, #tpu.memory_space<hbm>>
      %dma_wait3A_104 = arith.constant 24576 : i32
      %dma_wait3A_105 = tpu.memref_slice %arg5[%add3A_4, %dma_wait3A_104] : memref<64x32768xf32, #tpu.memory_space<hbm>> -> memref<1x4096xf32, #tpu.memory_space<hbm>>
      %dma_wait3A_106 = tpu.memref_squeeze %dma_wait3A_105 : memref<1x4096xf32, #tpu.memory_space<hbm>> -> memref<4096xf32, #tpu.memory_space<hbm>>
      tpu.wait_dma2 semaphore(%run_scoped3A : memref<!tpu.dma_semaphore, #tpu.memory_space<semaphore_mem>>) src(%arg10 : memref<4096xf32, #tpu.memory_space<vmem>>) dst(%dma_wait3A_106 : memref<4096xf32, #tpu.memory_space<hbm>>)
      tpu.yield
    }) : () -> ()
    "tpu.region"() ({
      %run_scoped3A = tpu.sem_alloc : memref<!tpu.dma_semaphore, #tpu.memory_space<semaphore_mem>>
      %dma_start3A_95 = arith.constant 12288 : i32
      %dma_start3A_96 = tpu.memref_slice %arg4[%dma_start3A_95] : memref<16384xi32, #tpu.memory_space<hbm>> -> memref<4096xi32, #tpu.memory_space<hbm>>
      %dma_start3A_97 = arith.constant 12288 : i32
      %dma_start3A_98 = tpu.memref_slice %arg4[%dma_start3A_97] : memref<16384xi32, #tpu.memory_space<hbm>> -> memref<4096xi32, #tpu.memory_space<hbm>>
      tpu.enqueue_dma source(%dma_start3A_98 : memref<4096xi32, #tpu.memory_space<hbm>>) target(%arg8 : memref<4096xi32, #tpu.memory_space<vmem>>) target_semaphore(%run_scoped3A : memref<!tpu.dma_semaphore, #tpu.memory_space<semaphore_mem>>)
      %dma_wait3A_99 = arith.constant 12288 : i32
      %dma_wait3A_100 = tpu.memref_slice %arg4[%dma_wait3A_99] : memref<16384xi32, #tpu.memory_space<hbm>> -> memref<4096xi32, #tpu.memory_space<hbm>>
      %dma_wait3A_101 = arith.constant 12288 : i32
      %dma_wait3A_102 = tpu.memref_slice %arg4[%dma_wait3A_101] : memref<16384xi32, #tpu.memory_space<hbm>> -> memref<4096xi32, #tpu.memory_space<hbm>>
      tpu.wait_dma2 semaphore(%run_scoped3A : memref<!tpu.dma_semaphore, #tpu.memory_space<semaphore_mem>>) src(%dma_wait3A_102 : memref<4096xi32, #tpu.memory_space<hbm>>) dst(%arg8 : memref<4096xi32, #tpu.memory_space<vmem>>)
      tpu.yield
    }) : () -> ()
    %parallel_loop3A_41 = arith.constant 0 : i32
    %parallel_loop3A_42 = arith.constant 256 : i32
    %parallel_loop3A_43 = arith.constant 1 : i32
    scf.for %parallel_loop3A_95 = %parallel_loop3A_41 to %parallel_loop3A_42 step %parallel_loop3A_43  : i32 {
      %parallel_loop3A_96 = arith.constant 16 : i32
      %parallel_loop3A_97 = arith.muli %parallel_loop3A_95, %parallel_loop3A_96 : i32
      %parallel_loop3A_98 = arith.index_cast %parallel_loop3A_97 : i32 to index
      %parallel_loop3A_99 = tpu.vector_load %arg8[%parallel_loop3A_98] {strides = array<i32>} : memref<4096xi32, #tpu.memory_space<vmem>>, vector<16xi32>,
      %parallel_loop3A_100 = tpu.vector_load_idx %arg6[%parallel_loop3A_99] : memref<100000xf32, #tpu.memory_space<vmem>>[vector<16xi32>], vector<16xf32>,
      %parallel_loop3A_101 = arith.constant 12288 : i32
      %parallel_loop3A_102 = arith.addi %parallel_loop3A_101, %parallel_loop3A_97 : i32
      %parallel_loop3A_103 = arith.index_cast %parallel_loop3A_102 : i32 to index
      %parallel_loop3A_104 = tpu.vector_load %arg7[%parallel_loop3A_103] {strides = array<i32>} : memref<16384xf32, #tpu.memory_space<vmem>>, vector<16xf32>,
      %parallel_loop3A_105 = arith.mulf %parallel_loop3A_100, %parallel_loop3A_104 : vector<16xf32>
      %parallel_loop3A_106 = arith.index_cast %parallel_loop3A_97 : i32 to index
      %parallel_loop3A_107 = tpu.vector_load %arg9[%parallel_loop3A_106] {strides = array<i32>} : memref<4096xf32, #tpu.memory_space<vmem>>, vector<16xf32>,
      tpu.vector_store %arg9[%parallel_loop3A_106], %parallel_loop3A_105 {strides = array<i32>} : memref<4096xf32, #tpu.memory_space<vmem>>, vector<16xf32>,
      %parallel_loop3A_108 = arith.mulf %parallel_loop3A_100, %parallel_loop3A_100 : vector<16xf32>
      %parallel_loop3A_109 = arith.index_cast %parallel_loop3A_97 : i32 to index
      %parallel_loop3A_110 = tpu.vector_load %arg10[%parallel_loop3A_109] {strides = array<i32>} : memref<4096xf32, #tpu.memory_space<vmem>>, vector<16xf32>,
      tpu.vector_store %arg10[%parallel_loop3A_109], %parallel_loop3A_108 {strides = array<i32>} : memref<4096xf32, #tpu.memory_space<vmem>>, vector<16xf32>,
    } {sc.loop_unroll_factor = 8 : i64, sc.parallel_access}
    "tpu.region"() ({
      %run_scoped3A = tpu.sem_alloc : memref<!tpu.dma_semaphore, #tpu.memory_space<semaphore_mem>>
      %dma_start3A_95 = arith.constant 12288 : i32
      %dma_start3A_96 = tpu.memref_slice %arg5[%add3A_4, %dma_start3A_95] : memref<64x32768xf32, #tpu.memory_space<hbm>> -> memref<1x4096xf32, #tpu.memory_space<hbm>>
      %dma_start3A_97 = tpu.memref_squeeze %dma_start3A_96 : memref<1x4096xf32, #tpu.memory_space<hbm>> -> memref<4096xf32, #tpu.memory_space<hbm>>
      %dma_start3A_98 = arith.constant 12288 : i32
      %dma_start3A_99 = tpu.memref_slice %arg5[%add3A_4, %dma_start3A_98] : memref<64x32768xf32, #tpu.memory_space<hbm>> -> memref<1x4096xf32, #tpu.memory_space<hbm>>
      %dma_start3A_100 = tpu.memref_squeeze %dma_start3A_99 : memref<1x4096xf32, #tpu.memory_space<hbm>> -> memref<4096xf32, #tpu.memory_space<hbm>>
      tpu.enqueue_dma source(%arg9 : memref<4096xf32, #tpu.memory_space<vmem>>) target(%dma_start3A_100 : memref<4096xf32, #tpu.memory_space<hbm>>) target_semaphore(%run_scoped3A : memref<!tpu.dma_semaphore, #tpu.memory_space<semaphore_mem>>)
      %dma_wait3A_101 = arith.constant 12288 : i32
      %dma_wait3A_102 = tpu.memref_slice %arg5[%add3A_4, %dma_wait3A_101] : memref<64x32768xf32, #tpu.memory_space<hbm>> -> memref<1x4096xf32, #tpu.memory_space<hbm>>
      %dma_wait3A_103 = tpu.memref_squeeze %dma_wait3A_102 : memref<1x4096xf32, #tpu.memory_space<hbm>> -> memref<4096xf32, #tpu.memory_space<hbm>>
      %dma_wait3A_104 = arith.constant 12288 : i32
      %dma_wait3A_105 = tpu.memref_slice %arg5[%add3A_4, %dma_wait3A_104] : memref<64x32768xf32, #tpu.memory_space<hbm>> -> memref<1x4096xf32, #tpu.memory_space<hbm>>
      %dma_wait3A_106 = tpu.memref_squeeze %dma_wait3A_105 : memref<1x4096xf32, #tpu.memory_space<hbm>> -> memref<4096xf32, #tpu.memory_space<hbm>>
      tpu.wait_dma2 semaphore(%run_scoped3A : memref<!tpu.dma_semaphore, #tpu.memory_space<semaphore_mem>>) src(%arg9 : memref<4096xf32, #tpu.memory_space<vmem>>) dst(%dma_wait3A_106 : memref<4096xf32, #tpu.memory_space<hbm>>)
      tpu.yield
    }) : () -> ()
    "tpu.region"() ({
      %run_scoped3A = tpu.sem_alloc : memref<!tpu.dma_semaphore, #tpu.memory_space<semaphore_mem>>
      %dma_start3A_95 = arith.constant 28672 : i32
      %dma_start3A_96 = tpu.memref_slice %arg5[%add3A_4, %dma_start3A_95] : memref<64x32768xf32, #tpu.memory_space<hbm>> -> memref<1x4096xf32, #tpu.memory_space<hbm>>
      %dma_start3A_97 = tpu.memref_squeeze %dma_start3A_96 : memref<1x4096xf32, #tpu.memory_space<hbm>> -> memref<4096xf32, #tpu.memory_space<hbm>>
      %dma_start3A_98 = arith.constant 28672 : i32
      %dma_start3A_99 = tpu.memref_slice %arg5[%add3A_4, %dma_start3A_98] : memref<64x32768xf32, #tpu.memory_space<hbm>> -> memref<1x4096xf32, #tpu.memory_space<hbm>>
      %dma_start3A_100 = tpu.memref_squeeze %dma_start3A_99 : memref<1x4096xf32, #tpu.memory_space<hbm>> -> memref<4096xf32, #tpu.memory_space<hbm>>
      tpu.enqueue_dma source(%arg10 : memref<4096xf32, #tpu.memory_space<vmem>>) target(%dma_start3A_100 : memref<4096xf32, #tpu.memory_space<hbm>>) target_semaphore(%run_scoped3A : memref<!tpu.dma_semaphore, #tpu.memory_space<semaphore_mem>>)
      %dma_wait3A_101 = arith.constant 28672 : i32
      %dma_wait3A_102 = tpu.memref_slice %arg5[%add3A_4, %dma_wait3A_101] : memref<64x32768xf32, #tpu.memory_space<hbm>> -> memref<1x4096xf32, #tpu.memory_space<hbm>>
      %dma_wait3A_103 = tpu.memref_squeeze %dma_wait3A_102 : memref<1x4096xf32, #tpu.memory_space<hbm>> -> memref<4096xf32, #tpu.memory_space<hbm>>
      %dma_wait3A_104 = arith.constant 28672 : i32
      %dma_wait3A_105 = tpu.memref_slice %arg5[%add3A_4, %dma_wait3A_104] : memref<64x32768xf32, #tpu.memory_space<hbm>> -> memref<1x4096xf32, #tpu.memory_space<hbm>>
      %dma_wait3A_106 = tpu.memref_squeeze %dma_wait3A_105 : memref<1x4096xf32, #tpu.memory_space<hbm>> -> memref<4096xf32, #tpu.memory_space<hbm>>
      tpu.wait_dma2 semaphore(%run_scoped3A : memref<!tpu.dma_semaphore, #tpu.memory_space<semaphore_mem>>) src(%arg10 : memref<4096xf32, #tpu.memory_space<vmem>>) dst(%dma_wait3A_106 : memref<4096xf32, #tpu.memory_space<hbm>>)
      tpu.yield
    }) : () -> ()
    %mul3A_44 = arith.constant 32 : i32
    %mul3A_45 = arith.muli %arg0, %mul3A_44 : i32
    %mul3A_46 = arith.constant 2 : i32
    %mul3A_47 = arith.muli %arg1, %mul3A_46 : i32
    %add3A_48 = arith.addi %mul3A_45, %mul3A_47 : i32
    %add3A_49 = arith.constant 1 : i32
    %add3A_50 = arith.addi %add3A_48, %add3A_49 : i32
    %shift_right_arithmetic3A_51 = arith.constant 3 : i32
    %shift_right_arithmetic3A_52 = arith.shrsi %add3A_50, %shift_right_arithmetic3A_51 : i32
    %and3A_53 = arith.constant 7 : i32
    %and3A_54 = arith.andi %add3A_50, %and3A_53 : i32
    %dma_start3A_55 = arith.constant 0 : i32
    %dma_start3A_56 = tpu.memref_slice %arg2[%shift_right_arithmetic3A_52, %and3A_54, %dma_start3A_55] : memref<8x8x100000xf32, #tpu.memory_space<hbm>> -> memref<1x1x100000xf32, #tpu.memory_space<hbm>>
    %dma_start3A_57 = tpu.memref_squeeze %dma_start3A_56 : memref<1x1x100000xf32, #tpu.memory_space<hbm>> -> memref<100000xf32, #tpu.memory_space<hbm>>
    %dma_start3A_58 = arith.constant 0 : i32
    %dma_start3A_59 = tpu.memref_slice %arg2[%shift_right_arithmetic3A_52, %and3A_54, %dma_start3A_58] : memref<8x8x100000xf32, #tpu.memory_space<hbm>> -> memref<1x1x100000xf32, #tpu.memory_space<hbm>>
    %dma_start3A_60 = tpu.memref_squeeze %dma_start3A_59 : memref<1x1x100000xf32, #tpu.memory_space<hbm>> -> memref<100000xf32, #tpu.memory_space<hbm>>
    tpu.enqueue_dma source(%dma_start3A_60 : memref<100000xf32, #tpu.memory_space<hbm>>) target(%arg6 : memref<100000xf32, #tpu.memory_space<vmem>>) target_semaphore(%arg11 : memref<!tpu.dma_semaphore, #tpu.memory_space<semaphore_mem>>)
    %shift_right_arithmetic3A_61 = arith.constant 3 : i32
    %shift_right_arithmetic3A_62 = arith.shrsi %add3A_50, %shift_right_arithmetic3A_61 : i32
    %and3A_63 = arith.constant 7 : i32
    %and3A_64 = arith.andi %add3A_50, %and3A_63 : i32
    %dma_start3A_65 = arith.constant 0 : i32
    %dma_start3A_66 = tpu.memref_slice %arg3[%shift_right_arithmetic3A_62, %and3A_64, %dma_start3A_65] : memref<8x8x16384xf32, #tpu.memory_space<hbm>> -> memref<1x1x16384xf32, #tpu.memory_space<hbm>>
    %dma_start3A_67 = tpu.memref_squeeze %dma_start3A_66 : memref<1x1x16384xf32, #tpu.memory_space<hbm>> -> memref<16384xf32, #tpu.memory_space<hbm>>
    %dma_start3A_68 = arith.constant 0 : i32
    %dma_start3A_69 = tpu.memref_slice %arg3[%shift_right_arithmetic3A_62, %and3A_64, %dma_start3A_68] : memref<8x8x16384xf32, #tpu.memory_space<hbm>> -> memref<1x1x16384xf32, #tpu.memory_space<hbm>>
    %dma_start3A_70 = tpu.memref_squeeze %dma_start3A_69 : memref<1x1x16384xf32, #tpu.memory_space<hbm>> -> memref<16384xf32, #tpu.memory_space<hbm>>
    tpu.enqueue_dma source(%dma_start3A_70 : memref<16384xf32, #tpu.memory_space<hbm>>) target(%arg7 : memref<16384xf32, #tpu.memory_space<vmem>>) target_semaphore(%arg11 : memref<!tpu.dma_semaphore, #tpu.memory_space<semaphore_mem>>)
    %dma_wait3A_71 = arith.constant 0 : i32
    %dma_wait3A_72 = tpu.memref_slice %arg2[%shift_right_arithmetic3A_52, %and3A_54, %dma_wait3A_71] : memref<8x8x100000xf32, #tpu.memory_space<hbm>> -> memref<1x1x100000xf32, #tpu.memory_space<hbm>>
    %dma_wait3A_73 = tpu.memref_squeeze %dma_wait3A_72 : memref<1x1x100000xf32, #tpu.memory_space<hbm>> -> memref<100000xf32, #tpu.memory_space<hbm>>
    %dma_wait3A_74 = arith.constant 0 : i32
    %dma_wait3A_75 = tpu.memref_slice %arg2[%shift_right_arithmetic3A_52, %and3A_54, %dma_wait3A_74] : memref<8x8x100000xf32, #tpu.memory_space<hbm>> -> memref<1x1x100000xf32, #tpu.memory_space<hbm>>
    %dma_wait3A_76 = tpu.memref_squeeze %dma_wait3A_75 : memref<1x1x100000xf32, #tpu.memory_space<hbm>> -> memref<100000xf32, #tpu.memory_space<hbm>>
    tpu.wait_dma2 semaphore(%arg11 : memref<!tpu.dma_semaphore, #tpu.memory_space<semaphore_mem>>) src(%dma_wait3A_76 : memref<100000xf32, #tpu.memory_space<hbm>>) dst(%arg6 : memref<100000xf32, #tpu.memory_space<vmem>>)
    %dma_wait3A_77 = arith.constant 0 : i32
    %dma_wait3A_78 = tpu.memref_slice %arg3[%shift_right_arithmetic3A_62, %and3A_64, %dma_wait3A_77] : memref<8x8x16384xf32, #tpu.memory_space<hbm>> -> memref<1x1x16384xf32, #tpu.memory_space<hbm>>
    %dma_wait3A_79 = tpu.memref_squeeze %dma_wait3A_78 : memref<1x1x16384xf32, #tpu.memory_space<hbm>> -> memref<16384xf32, #tpu.memory_space<hbm>>
    %dma_wait3A_80 = arith.constant 0 : i32
    %dma_wait3A_81 = tpu.memref_slice %arg3[%shift_right_arithmetic3A_62, %and3A_64, %dma_wait3A_80] : memref<8x8x16384xf32, #tpu.memory_space<hbm>> -> memref<1x1x16384xf32, #tpu.memory_space<hbm>>
    %dma_wait3A_82 = tpu.memref_squeeze %dma_wait3A_81 : memref<1x1x16384xf32, #tpu.memory_space<hbm>> -> memref<16384xf32, #tpu.memory_space<hbm>>
    tpu.wait_dma2 semaphore(%arg11 : memref<!tpu.dma_semaphore, #tpu.memory_space<semaphore_mem>>) src(%dma_wait3A_82 : memref<16384xf32, #tpu.memory_space<hbm>>) dst(%arg7 : memref<16384xf32, #tpu.memory_space<vmem>>)
    "tpu.region"() ({
      %run_scoped3A = tpu.sem_alloc : memref<!tpu.dma_semaphore, #tpu.memory_space<semaphore_mem>>
      %dma_start3A_95 = arith.constant 0 : i32
      %dma_start3A_96 = tpu.memref_slice %arg4[%dma_start3A_95] : memref<16384xi32, #tpu.memory_space<hbm>> -> memref<4096xi32, #tpu.memory_space<hbm>>
      %dma_start3A_97 = arith.constant 0 : i32
      %dma_start3A_98 = tpu.memref_slice %arg4[%dma_start3A_97] : memref<16384xi32, #tpu.memory_space<hbm>> -> memref<4096xi32, #tpu.memory_space<hbm>>
      tpu.enqueue_dma source(%dma_start3A_98 : memref<4096xi32, #tpu.memory_space<hbm>>) target(%arg8 : memref<4096xi32, #tpu.memory_space<vmem>>) target_semaphore(%run_scoped3A : memref<!tpu.dma_semaphore, #tpu.memory_space<semaphore_mem>>)
      %dma_wait3A_99 = arith.constant 0 : i32
      %dma_wait3A_100 = tpu.memref_slice %arg4[%dma_wait3A_99] : memref<16384xi32, #tpu.memory_space<hbm>> -> memref<4096xi32, #tpu.memory_space<hbm>>
      %dma_wait3A_101 = arith.constant 0 : i32
      %dma_wait3A_102 = tpu.memref_slice %arg4[%dma_wait3A_101] : memref<16384xi32, #tpu.memory_space<hbm>> -> memref<4096xi32, #tpu.memory_space<hbm>>
      tpu.wait_dma2 semaphore(%run_scoped3A : memref<!tpu.dma_semaphore, #tpu.memory_space<semaphore_mem>>) src(%dma_wait3A_102 : memref<4096xi32, #tpu.memory_space<hbm>>) dst(%arg8 : memref<4096xi32, #tpu.memory_space<vmem>>)
      tpu.yield
    }) : () -> ()
    %parallel_loop3A_83 = arith.constant 0 : i32
    %parallel_loop3A_84 = arith.constant 256 : i32
    %parallel_loop3A_85 = arith.constant 1 : i32
    scf.for %parallel_loop3A_95 = %parallel_loop3A_83 to %parallel_loop3A_84 step %parallel_loop3A_85  : i32 {
      %parallel_loop3A_96 = arith.constant 16 : i32
      %parallel_loop3A_97 = arith.muli %parallel_loop3A_95, %parallel_loop3A_96 : i32
      %parallel_loop3A_98 = arith.index_cast %parallel_loop3A_97 : i32 to index
      %parallel_loop3A_99 = tpu.vector_load %arg8[%parallel_loop3A_98] {strides = array<i32>} : memref<4096xi32, #tpu.memory_space<vmem>>, vector<16xi32>,
      %parallel_loop3A_100 = tpu.vector_load_idx %arg6[%parallel_loop3A_99] : memref<100000xf32, #tpu.memory_space<vmem>>[vector<16xi32>], vector<16xf32>,
      %parallel_loop3A_101 = arith.constant 0 : i32
      %parallel_loop3A_102 = arith.addi %parallel_loop3A_101, %parallel_loop3A_97 : i32
      %parallel_loop3A_103 = arith.index_cast %parallel_loop3A_102 : i32 to index
      %parallel_loop3A_104 = tpu.vector_load %arg7[%parallel_loop3A_103] {strides = array<i32>} : memref<16384xf32, #tpu.memory_space<vmem>>, vector<16xf32>,
      %parallel_loop3A_105 = arith.mulf %parallel_loop3A_100, %parallel_loop3A_104 : vector<16xf32>
      %parallel_loop3A_106 = arith.index_cast %parallel_loop3A_97 : i32 to index
      %parallel_loop3A_107 = tpu.vector_load %arg9[%parallel_loop3A_106] {strides = array<i32>} : memref<4096xf32, #tpu.memory_space<vmem>>, vector<16xf32>,
      tpu.vector_store %arg9[%parallel_loop3A_106], %parallel_loop3A_105 {strides = array<i32>} : memref<4096xf32, #tpu.memory_space<vmem>>, vector<16xf32>,
      %parallel_loop3A_108 = arith.mulf %parallel_loop3A_100, %parallel_loop3A_100 : vector<16xf32>
      %parallel_loop3A_109 = arith.index_cast %parallel_loop3A_97 : i32 to index
      %parallel_loop3A_110 = tpu.vector_load %arg10[%parallel_loop3A_109] {strides = array<i32>} : memref<4096xf32, #tpu.memory_space<vmem>>, vector<16xf32>,
      tpu.vector_store %arg10[%parallel_loop3A_109], %parallel_loop3A_108 {strides = array<i32>} : memref<4096xf32, #tpu.memory_space<vmem>>, vector<16xf32>,
    } {sc.loop_unroll_factor = 8 : i64, sc.parallel_access}
    "tpu.region"() ({
      %run_scoped3A = tpu.sem_alloc : memref<!tpu.dma_semaphore, #tpu.memory_space<semaphore_mem>>
      %dma_start3A_95 = arith.constant 0 : i32
      %dma_start3A_96 = tpu.memref_slice %arg5[%add3A_50, %dma_start3A_95] : memref<64x32768xf32, #tpu.memory_space<hbm>> -> memref<1x4096xf32, #tpu.memory_space<hbm>>
      %dma_start3A_97 = tpu.memref_squeeze %dma_start3A_96 : memref<1x4096xf32, #tpu.memory_space<hbm>> -> memref<4096xf32, #tpu.memory_space<hbm>>
      %dma_start3A_98 = arith.constant 0 : i32
      %dma_start3A_99 = tpu.memref_slice %arg5[%add3A_50, %dma_start3A_98] : memref<64x32768xf32, #tpu.memory_space<hbm>> -> memref<1x4096xf32, #tpu.memory_space<hbm>>
      %dma_start3A_100 = tpu.memref_squeeze %dma_start3A_99 : memref<1x4096xf32, #tpu.memory_space<hbm>> -> memref<4096xf32, #tpu.memory_space<hbm>>
      tpu.enqueue_dma source(%arg9 : memref<4096xf32, #tpu.memory_space<vmem>>) target(%dma_start3A_100 : memref<4096xf32, #tpu.memory_space<hbm>>) target_semaphore(%run_scoped3A : memref<!tpu.dma_semaphore, #tpu.memory_space<semaphore_mem>>)
      %dma_wait3A_101 = arith.constant 0 : i32
      %dma_wait3A_102 = tpu.memref_slice %arg5[%add3A_50, %dma_wait3A_101] : memref<64x32768xf32, #tpu.memory_space<hbm>> -> memref<1x4096xf32, #tpu.memory_space<hbm>>
      %dma_wait3A_103 = tpu.memref_squeeze %dma_wait3A_102 : memref<1x4096xf32, #tpu.memory_space<hbm>> -> memref<4096xf32, #tpu.memory_space<hbm>>
      %dma_wait3A_104 = arith.constant 0 : i32
      %dma_wait3A_105 = tpu.memref_slice %arg5[%add3A_50, %dma_wait3A_104] : memref<64x32768xf32, #tpu.memory_space<hbm>> -> memref<1x4096xf32, #tpu.memory_space<hbm>>
      %dma_wait3A_106 = tpu.memref_squeeze %dma_wait3A_105 : memref<1x4096xf32, #tpu.memory_space<hbm>> -> memref<4096xf32, #tpu.memory_space<hbm>>
      tpu.wait_dma2 semaphore(%run_scoped3A : memref<!tpu.dma_semaphore, #tpu.memory_space<semaphore_mem>>) src(%arg9 : memref<4096xf32, #tpu.memory_space<vmem>>) dst(%dma_wait3A_106 : memref<4096xf32, #tpu.memory_space<hbm>>)
      tpu.yield
    }) : () -> ()
    "tpu.region"() ({
      %run_scoped3A = tpu.sem_alloc : memref<!tpu.dma_semaphore, #tpu.memory_space<semaphore_mem>>
      %dma_start3A_95 = arith.constant 16384 : i32
      %dma_start3A_96 = tpu.memref_slice %arg5[%add3A_50, %dma_start3A_95] : memref<64x32768xf32, #tpu.memory_space<hbm>> -> memref<1x4096xf32, #tpu.memory_space<hbm>>
      %dma_start3A_97 = tpu.memref_squeeze %dma_start3A_96 : memref<1x4096xf32, #tpu.memory_space<hbm>> -> memref<4096xf32, #tpu.memory_space<hbm>>
      %dma_start3A_98 = arith.constant 16384 : i32
      %dma_start3A_99 = tpu.memref_slice %arg5[%add3A_50, %dma_start3A_98] : memref<64x32768xf32, #tpu.memory_space<hbm>> -> memref<1x4096xf32, #tpu.memory_space<hbm>>
      %dma_start3A_100 = tpu.memref_squeeze %dma_start3A_99 : memref<1x4096xf32, #tpu.memory_space<hbm>> -> memref<4096xf32, #tpu.memory_space<hbm>>
      tpu.enqueue_dma source(%arg10 : memref<4096xf32, #tpu.memory_space<vmem>>) target(%dma_start3A_100 : memref<4096xf32, #tpu.memory_space<hbm>>) target_semaphore(%run_scoped3A : memref<!tpu.dma_semaphore, #tpu.memory_space<semaphore_mem>>)
      %dma_wait3A_101 = arith.constant 16384 : i32
      %dma_wait3A_102 = tpu.memref_slice %arg5[%add3A_50, %dma_wait3A_101] : memref<64x32768xf32, #tpu.memory_space<hbm>> -> memref<1x4096xf32, #tpu.memory_space<hbm>>
      %dma_wait3A_103 = tpu.memref_squeeze %dma_wait3A_102 : memref<1x4096xf32, #tpu.memory_space<hbm>> -> memref<4096xf32, #tpu.memory_space<hbm>>
      %dma_wait3A_104 = arith.constant 16384 : i32
      %dma_wait3A_105 = tpu.memref_slice %arg5[%add3A_50, %dma_wait3A_104] : memref<64x32768xf32, #tpu.memory_space<hbm>> -> memref<1x4096xf32, #tpu.memory_space<hbm>>
      %dma_wait3A_106 = tpu.memref_squeeze %dma_wait3A_105 : memref<1x4096xf32, #tpu.memory_space<hbm>> -> memref<4096xf32, #tpu.memory_space<hbm>>
      tpu.wait_dma2 semaphore(%run_scoped3A : memref<!tpu.dma_semaphore, #tpu.memory_space<semaphore_mem>>) src(%arg10 : memref<4096xf32, #tpu.memory_space<vmem>>) dst(%dma_wait3A_106 : memref<4096xf32, #tpu.memory_space<hbm>>)
      tpu.yield
    }) : () -> ()
    "tpu.region"() ({
      %run_scoped3A = tpu.sem_alloc : memref<!tpu.dma_semaphore, #tpu.memory_space<semaphore_mem>>
      %dma_start3A_95 = arith.constant 4096 : i32
      %dma_start3A_96 = tpu.memref_slice %arg4[%dma_start3A_95] : memref<16384xi32, #tpu.memory_space<hbm>> -> memref<4096xi32, #tpu.memory_space<hbm>>
      %dma_start3A_97 = arith.constant 4096 : i32
      %dma_start3A_98 = tpu.memref_slice %arg4[%dma_start3A_97] : memref<16384xi32, #tpu.memory_space<hbm>> -> memref<4096xi32, #tpu.memory_space<hbm>>
      tpu.enqueue_dma source(%dma_start3A_98 : memref<4096xi32, #tpu.memory_space<hbm>>) target(%arg8 : memref<4096xi32, #tpu.memory_space<vmem>>) target_semaphore(%run_scoped3A : memref<!tpu.dma_semaphore, #tpu.memory_space<semaphore_mem>>)
      %dma_wait3A_99 = arith.constant 4096 : i32
      %dma_wait3A_100 = tpu.memref_slice %arg4[%dma_wait3A_99] : memref<16384xi32, #tpu.memory_space<hbm>> -> memref<4096xi32, #tpu.memory_space<hbm>>
      %dma_wait3A_101 = arith.constant 4096 : i32
      %dma_wait3A_102 = tpu.memref_slice %arg4[%dma_wait3A_101] : memref<16384xi32, #tpu.memory_space<hbm>> -> memref<4096xi32, #tpu.memory_space<hbm>>
      tpu.wait_dma2 semaphore(%run_scoped3A : memref<!tpu.dma_semaphore, #tpu.memory_space<semaphore_mem>>) src(%dma_wait3A_102 : memref<4096xi32, #tpu.memory_space<hbm>>) dst(%arg8 : memref<4096xi32, #tpu.memory_space<vmem>>)
      tpu.yield
    }) : () -> ()
    %parallel_loop3A_86 = arith.constant 0 : i32
    %parallel_loop3A_87 = arith.constant 256 : i32
    %parallel_loop3A_88 = arith.constant 1 : i32
    scf.for %parallel_loop3A_95 = %parallel_loop3A_86 to %parallel_loop3A_87 step %parallel_loop3A_88  : i32 {
      %parallel_loop3A_96 = arith.constant 16 : i32
      %parallel_loop3A_97 = arith.muli %parallel_loop3A_95, %parallel_loop3A_96 : i32
      %parallel_loop3A_98 = arith.index_cast %parallel_loop3A_97 : i32 to index
      %parallel_loop3A_99 = tpu.vector_load %arg8[%parallel_loop3A_98] {strides = array<i32>} : memref<4096xi32, #tpu.memory_space<vmem>>, vector<16xi32>,
      %parallel_loop3A_100 = tpu.vector_load_idx %arg6[%parallel_loop3A_99] : memref<100000xf32, #tpu.memory_space<vmem>>[vector<16xi32>], vector<16xf32>,
      %parallel_loop3A_101 = arith.constant 4096 : i32
      %parallel_loop3A_102 = arith.addi %parallel_loop3A_101, %parallel_loop3A_97 : i32
      %parallel_loop3A_103 = arith.index_cast %parallel_loop3A_102 : i32 to index
      %parallel_loop3A_104 = tpu.vector_load %arg7[%parallel_loop3A_103] {strides = array<i32>} : memref<16384xf32, #tpu.memory_space<vmem>>, vector<16xf32>,
      %parallel_loop3A_105 = arith.mulf %parallel_loop3A_100, %parallel_loop3A_104 : vector<16xf32>
      %parallel_loop3A_106 = arith.index_cast %parallel_loop3A_97 : i32 to index
      %parallel_loop3A_107 = tpu.vector_load %arg9[%parallel_loop3A_106] {strides = array<i32>} : memref<4096xf32, #tpu.memory_space<vmem>>, vector<16xf32>,
      tpu.vector_store %arg9[%parallel_loop3A_106], %parallel_loop3A_105 {strides = array<i32>} : memref<4096xf32, #tpu.memory_space<vmem>>, vector<16xf32>,
      %parallel_loop3A_108 = arith.mulf %parallel_loop3A_100, %parallel_loop3A_100 : vector<16xf32>
      %parallel_loop3A_109 = arith.index_cast %parallel_loop3A_97 : i32 to index
      %parallel_loop3A_110 = tpu.vector_load %arg10[%parallel_loop3A_109] {strides = array<i32>} : memref<4096xf32, #tpu.memory_space<vmem>>, vector<16xf32>,
      tpu.vector_store %arg10[%parallel_loop3A_109], %parallel_loop3A_108 {strides = array<i32>} : memref<4096xf32, #tpu.memory_space<vmem>>, vector<16xf32>,
    } {sc.loop_unroll_factor = 8 : i64, sc.parallel_access}
    "tpu.region"() ({
      %run_scoped3A = tpu.sem_alloc : memref<!tpu.dma_semaphore, #tpu.memory_space<semaphore_mem>>
      %dma_start3A_95 = arith.constant 4096 : i32
      %dma_start3A_96 = tpu.memref_slice %arg5[%add3A_50, %dma_start3A_95] : memref<64x32768xf32, #tpu.memory_space<hbm>> -> memref<1x4096xf32, #tpu.memory_space<hbm>>
      %dma_start3A_97 = tpu.memref_squeeze %dma_start3A_96 : memref<1x4096xf32, #tpu.memory_space<hbm>> -> memref<4096xf32, #tpu.memory_space<hbm>>
      %dma_start3A_98 = arith.constant 4096 : i32
      %dma_start3A_99 = tpu.memref_slice %arg5[%add3A_50, %dma_start3A_98] : memref<64x32768xf32, #tpu.memory_space<hbm>> -> memref<1x4096xf32, #tpu.memory_space<hbm>>
      %dma_start3A_100 = tpu.memref_squeeze %dma_start3A_99 : memref<1x4096xf32, #tpu.memory_space<hbm>> -> memref<4096xf32, #tpu.memory_space<hbm>>
      tpu.enqueue_dma source(%arg9 : memref<4096xf32, #tpu.memory_space<vmem>>) target(%dma_start3A_100 : memref<4096xf32, #tpu.memory_space<hbm>>) target_semaphore(%run_scoped3A : memref<!tpu.dma_semaphore, #tpu.memory_space<semaphore_mem>>)
      %dma_wait3A_101 = arith.constant 4096 : i32
      %dma_wait3A_102 = tpu.memref_slice %arg5[%add3A_50, %dma_wait3A_101] : memref<64x32768xf32, #tpu.memory_space<hbm>> -> memref<1x4096xf32, #tpu.memory_space<hbm>>
      %dma_wait3A_103 = tpu.memref_squeeze %dma_wait3A_102 : memref<1x4096xf32, #tpu.memory_space<hbm>> -> memref<4096xf32, #tpu.memory_space<hbm>>
      %dma_wait3A_104 = arith.constant 4096 : i32
      %dma_wait3A_105 = tpu.memref_slice %arg5[%add3A_50, %dma_wait3A_104] : memref<64x32768xf32, #tpu.memory_space<hbm>> -> memref<1x4096xf32, #tpu.memory_space<hbm>>
      %dma_wait3A_106 = tpu.memref_squeeze %dma_wait3A_105 : memref<1x4096xf32, #tpu.memory_space<hbm>> -> memref<4096xf32, #tpu.memory_space<hbm>>
      tpu.wait_dma2 semaphore(%run_scoped3A : memref<!tpu.dma_semaphore, #tpu.memory_space<semaphore_mem>>) src(%arg9 : memref<4096xf32, #tpu.memory_space<vmem>>) dst(%dma_wait3A_106 : memref<4096xf32, #tpu.memory_space<hbm>>)
      tpu.yield
    }) : () -> ()
    "tpu.region"() ({
      %run_scoped3A = tpu.sem_alloc : memref<!tpu.dma_semaphore, #tpu.memory_space<semaphore_mem>>
      %dma_start3A_95 = arith.constant 20480 : i32
      %dma_start3A_96 = tpu.memref_slice %arg5[%add3A_50, %dma_start3A_95] : memref<64x32768xf32, #tpu.memory_space<hbm>> -> memref<1x4096xf32, #tpu.memory_space<hbm>>
      %dma_start3A_97 = tpu.memref_squeeze %dma_start3A_96 : memref<1x4096xf32, #tpu.memory_space<hbm>> -> memref<4096xf32, #tpu.memory_space<hbm>>
      %dma_start3A_98 = arith.constant 20480 : i32
      %dma_start3A_99 = tpu.memref_slice %arg5[%add3A_50, %dma_start3A_98] : memref<64x32768xf32, #tpu.memory_space<hbm>> -> memref<1x4096xf32, #tpu.memory_space<hbm>>
      %dma_start3A_100 = tpu.memref_squeeze %dma_start3A_99 : memref<1x4096xf32, #tpu.memory_space<hbm>> -> memref<4096xf32, #tpu.memory_space<hbm>>
      tpu.enqueue_dma source(%arg10 : memref<4096xf32, #tpu.memory_space<vmem>>) target(%dma_start3A_100 : memref<4096xf32, #tpu.memory_space<hbm>>) target_semaphore(%run_scoped3A : memref<!tpu.dma_semaphore, #tpu.memory_space<semaphore_mem>>)
      %dma_wait3A_101 = arith.constant 20480 : i32
      %dma_wait3A_102 = tpu.memref_slice %arg5[%add3A_50, %dma_wait3A_101] : memref<64x32768xf32, #tpu.memory_space<hbm>> -> memref<1x4096xf32, #tpu.memory_space<hbm>>
      %dma_wait3A_103 = tpu.memref_squeeze %dma_wait3A_102 : memref<1x4096xf32, #tpu.memory_space<hbm>> -> memref<4096xf32, #tpu.memory_space<hbm>>
      %dma_wait3A_104 = arith.constant 20480 : i32
      %dma_wait3A_105 = tpu.memref_slice %arg5[%add3A_50, %dma_wait3A_104] : memref<64x32768xf32, #tpu.memory_space<hbm>> -> memref<1x4096xf32, #tpu.memory_space<hbm>>
      %dma_wait3A_106 = tpu.memref_squeeze %dma_wait3A_105 : memref<1x4096xf32, #tpu.memory_space<hbm>> -> memref<4096xf32, #tpu.memory_space<hbm>>
      tpu.wait_dma2 semaphore(%run_scoped3A : memref<!tpu.dma_semaphore, #tpu.memory_space<semaphore_mem>>) src(%arg10 : memref<4096xf32, #tpu.memory_space<vmem>>) dst(%dma_wait3A_106 : memref<4096xf32, #tpu.memory_space<hbm>>)
      tpu.yield
    }) : () -> ()
    "tpu.region"() ({
      %run_scoped3A = tpu.sem_alloc : memref<!tpu.dma_semaphore, #tpu.memory_space<semaphore_mem>>
      %dma_start3A_95 = arith.constant 8192 : i32
      %dma_start3A_96 = tpu.memref_slice %arg4[%dma_start3A_95] : memref<16384xi32, #tpu.memory_space<hbm>> -> memref<4096xi32, #tpu.memory_space<hbm>>
      %dma_start3A_97 = arith.constant 8192 : i32
      %dma_start3A_98 = tpu.memref_slice %arg4[%dma_start3A_97] : memref<16384xi32, #tpu.memory_space<hbm>> -> memref<4096xi32, #tpu.memory_space<hbm>>
      tpu.enqueue_dma source(%dma_start3A_98 : memref<4096xi32, #tpu.memory_space<hbm>>) target(%arg8 : memref<4096xi32, #tpu.memory_space<vmem>>) target_semaphore(%run_scoped3A : memref<!tpu.dma_semaphore, #tpu.memory_space<semaphore_mem>>)
      %dma_wait3A_99 = arith.constant 8192 : i32
      %dma_wait3A_100 = tpu.memref_slice %arg4[%dma_wait3A_99] : memref<16384xi32, #tpu.memory_space<hbm>> -> memref<4096xi32, #tpu.memory_space<hbm>>
      %dma_wait3A_101 = arith.constant 8192 : i32
      %dma_wait3A_102 = tpu.memref_slice %arg4[%dma_wait3A_101] : memref<16384xi32, #tpu.memory_space<hbm>> -> memref<4096xi32, #tpu.memory_space<hbm>>
      tpu.wait_dma2 semaphore(%run_scoped3A : memref<!tpu.dma_semaphore, #tpu.memory_space<semaphore_mem>>) src(%dma_wait3A_102 : memref<4096xi32, #tpu.memory_space<hbm>>) dst(%arg8 : memref<4096xi32, #tpu.memory_space<vmem>>)
      tpu.yield
    }) : () -> ()
    %parallel_loop3A_89 = arith.constant 0 : i32
    %parallel_loop3A_90 = arith.constant 256 : i32
    %parallel_loop3A_91 = arith.constant 1 : i32
    scf.for %parallel_loop3A_95 = %parallel_loop3A_89 to %parallel_loop3A_90 step %parallel_loop3A_91  : i32 {
      %parallel_loop3A_96 = arith.constant 16 : i32
      %parallel_loop3A_97 = arith.muli %parallel_loop3A_95, %parallel_loop3A_96 : i32
      %parallel_loop3A_98 = arith.index_cast %parallel_loop3A_97 : i32 to index
      %parallel_loop3A_99 = tpu.vector_load %arg8[%parallel_loop3A_98] {strides = array<i32>} : memref<4096xi32, #tpu.memory_space<vmem>>, vector<16xi32>,
      %parallel_loop3A_100 = tpu.vector_load_idx %arg6[%parallel_loop3A_99] : memref<100000xf32, #tpu.memory_space<vmem>>[vector<16xi32>], vector<16xf32>,
      %parallel_loop3A_101 = arith.constant 8192 : i32
      %parallel_loop3A_102 = arith.addi %parallel_loop3A_101, %parallel_loop3A_97 : i32
      %parallel_loop3A_103 = arith.index_cast %parallel_loop3A_102 : i32 to index
      %parallel_loop3A_104 = tpu.vector_load %arg7[%parallel_loop3A_103] {strides = array<i32>} : memref<16384xf32, #tpu.memory_space<vmem>>, vector<16xf32>,
      %parallel_loop3A_105 = arith.mulf %parallel_loop3A_100, %parallel_loop3A_104 : vector<16xf32>
      %parallel_loop3A_106 = arith.index_cast %parallel_loop3A_97 : i32 to index
      %parallel_loop3A_107 = tpu.vector_load %arg9[%parallel_loop3A_106] {strides = array<i32>} : memref<4096xf32, #tpu.memory_space<vmem>>, vector<16xf32>,
      tpu.vector_store %arg9[%parallel_loop3A_106], %parallel_loop3A_105 {strides = array<i32>} : memref<4096xf32, #tpu.memory_space<vmem>>, vector<16xf32>,
      %parallel_loop3A_108 = arith.mulf %parallel_loop3A_100, %parallel_loop3A_100 : vector<16xf32>
      %parallel_loop3A_109 = arith.index_cast %parallel_loop3A_97 : i32 to index
      %parallel_loop3A_110 = tpu.vector_load %arg10[%parallel_loop3A_109] {strides = array<i32>} : memref<4096xf32, #tpu.memory_space<vmem>>, vector<16xf32>,
      tpu.vector_store %arg10[%parallel_loop3A_109], %parallel_loop3A_108 {strides = array<i32>} : memref<4096xf32, #tpu.memory_space<vmem>>, vector<16xf32>,
    } {sc.loop_unroll_factor = 8 : i64, sc.parallel_access}
    "tpu.region"() ({
      %run_scoped3A = tpu.sem_alloc : memref<!tpu.dma_semaphore, #tpu.memory_space<semaphore_mem>>
      %dma_start3A_95 = arith.constant 8192 : i32
      %dma_start3A_96 = tpu.memref_slice %arg5[%add3A_50, %dma_start3A_95] : memref<64x32768xf32, #tpu.memory_space<hbm>> -> memref<1x4096xf32, #tpu.memory_space<hbm>>
      %dma_start3A_97 = tpu.memref_squeeze %dma_start3A_96 : memref<1x4096xf32, #tpu.memory_space<hbm>> -> memref<4096xf32, #tpu.memory_space<hbm>>
      %dma_start3A_98 = arith.constant 8192 : i32
      %dma_start3A_99 = tpu.memref_slice %arg5[%add3A_50, %dma_start3A_98] : memref<64x32768xf32, #tpu.memory_space<hbm>> -> memref<1x4096xf32, #tpu.memory_space<hbm>>
      %dma_start3A_100 = tpu.memref_squeeze %dma_start3A_99 : memref<1x4096xf32, #tpu.memory_space<hbm>> -> memref<4096xf32, #tpu.memory_space<hbm>>
      tpu.enqueue_dma source(%arg9 : memref<4096xf32, #tpu.memory_space<vmem>>) target(%dma_start3A_100 : memref<4096xf32, #tpu.memory_space<hbm>>) target_semaphore(%run_scoped3A : memref<!tpu.dma_semaphore, #tpu.memory_space<semaphore_mem>>)
      %dma_wait3A_101 = arith.constant 8192 : i32
      %dma_wait3A_102 = tpu.memref_slice %arg5[%add3A_50, %dma_wait3A_101] : memref<64x32768xf32, #tpu.memory_space<hbm>> -> memref<1x4096xf32, #tpu.memory_space<hbm>>
      %dma_wait3A_103 = tpu.memref_squeeze %dma_wait3A_102 : memref<1x4096xf32, #tpu.memory_space<hbm>> -> memref<4096xf32, #tpu.memory_space<hbm>>
      %dma_wait3A_104 = arith.constant 8192 : i32
      %dma_wait3A_105 = tpu.memref_slice %arg5[%add3A_50, %dma_wait3A_104] : memref<64x32768xf32, #tpu.memory_space<hbm>> -> memref<1x4096xf32, #tpu.memory_space<hbm>>
      %dma_wait3A_106 = tpu.memref_squeeze %dma_wait3A_105 : memref<1x4096xf32, #tpu.memory_space<hbm>> -> memref<4096xf32, #tpu.memory_space<hbm>>
      tpu.wait_dma2 semaphore(%run_scoped3A : memref<!tpu.dma_semaphore, #tpu.memory_space<semaphore_mem>>) src(%arg9 : memref<4096xf32, #tpu.memory_space<vmem>>) dst(%dma_wait3A_106 : memref<4096xf32, #tpu.memory_space<hbm>>)
      tpu.yield
    }) : () -> ()
    "tpu.region"() ({
      %run_scoped3A = tpu.sem_alloc : memref<!tpu.dma_semaphore, #tpu.memory_space<semaphore_mem>>
      %dma_start3A_95 = arith.constant 24576 : i32
      %dma_start3A_96 = tpu.memref_slice %arg5[%add3A_50, %dma_start3A_95] : memref<64x32768xf32, #tpu.memory_space<hbm>> -> memref<1x4096xf32, #tpu.memory_space<hbm>>
      %dma_start3A_97 = tpu.memref_squeeze %dma_start3A_96 : memref<1x4096xf32, #tpu.memory_space<hbm>> -> memref<4096xf32, #tpu.memory_space<hbm>>
      %dma_start3A_98 = arith.constant 24576 : i32
      %dma_start3A_99 = tpu.memref_slice %arg5[%add3A_50, %dma_start3A_98] : memref<64x32768xf32, #tpu.memory_space<hbm>> -> memref<1x4096xf32, #tpu.memory_space<hbm>>
      %dma_start3A_100 = tpu.memref_squeeze %dma_start3A_99 : memref<1x4096xf32, #tpu.memory_space<hbm>> -> memref<4096xf32, #tpu.memory_space<hbm>>
      tpu.enqueue_dma source(%arg10 : memref<4096xf32, #tpu.memory_space<vmem>>) target(%dma_start3A_100 : memref<4096xf32, #tpu.memory_space<hbm>>) target_semaphore(%run_scoped3A : memref<!tpu.dma_semaphore, #tpu.memory_space<semaphore_mem>>)
      %dma_wait3A_101 = arith.constant 24576 : i32
      %dma_wait3A_102 = tpu.memref_slice %arg5[%add3A_50, %dma_wait3A_101] : memref<64x32768xf32, #tpu.memory_space<hbm>> -> memref<1x4096xf32, #tpu.memory_space<hbm>>
      %dma_wait3A_103 = tpu.memref_squeeze %dma_wait3A_102 : memref<1x4096xf32, #tpu.memory_space<hbm>> -> memref<4096xf32, #tpu.memory_space<hbm>>
      %dma_wait3A_104 = arith.constant 24576 : i32
      %dma_wait3A_105 = tpu.memref_slice %arg5[%add3A_50, %dma_wait3A_104] : memref<64x32768xf32, #tpu.memory_space<hbm>> -> memref<1x4096xf32, #tpu.memory_space<hbm>>
      %dma_wait3A_106 = tpu.memref_squeeze %dma_wait3A_105 : memref<1x4096xf32, #tpu.memory_space<hbm>> -> memref<4096xf32, #tpu.memory_space<hbm>>
      tpu.wait_dma2 semaphore(%run_scoped3A : memref<!tpu.dma_semaphore, #tpu.memory_space<semaphore_mem>>) src(%arg10 : memref<4096xf32, #tpu.memory_space<vmem>>) dst(%dma_wait3A_106 : memref<4096xf32, #tpu.memory_space<hbm>>)
      tpu.yield
    }) : () -> ()
    "tpu.region"() ({
      %run_scoped3A = tpu.sem_alloc : memref<!tpu.dma_semaphore, #tpu.memory_space<semaphore_mem>>
      %dma_start3A_95 = arith.constant 12288 : i32
      %dma_start3A_96 = tpu.memref_slice %arg4[%dma_start3A_95] : memref<16384xi32, #tpu.memory_space<hbm>> -> memref<4096xi32, #tpu.memory_space<hbm>>
      %dma_start3A_97 = arith.constant 12288 : i32
      %dma_start3A_98 = tpu.memref_slice %arg4[%dma_start3A_97] : memref<16384xi32, #tpu.memory_space<hbm>> -> memref<4096xi32, #tpu.memory_space<hbm>>
      tpu.enqueue_dma source(%dma_start3A_98 : memref<4096xi32, #tpu.memory_space<hbm>>) target(%arg8 : memref<4096xi32, #tpu.memory_space<vmem>>) target_semaphore(%run_scoped3A : memref<!tpu.dma_semaphore, #tpu.memory_space<semaphore_mem>>)
      %dma_wait3A_99 = arith.constant 12288 : i32
      %dma_wait3A_100 = tpu.memref_slice %arg4[%dma_wait3A_99] : memref<16384xi32, #tpu.memory_space<hbm>> -> memref<4096xi32, #tpu.memory_space<hbm>>
      %dma_wait3A_101 = arith.constant 12288 : i32
      %dma_wait3A_102 = tpu.memref_slice %arg4[%dma_wait3A_101] : memref<16384xi32, #tpu.memory_space<hbm>> -> memref<4096xi32, #tpu.memory_space<hbm>>
      tpu.wait_dma2 semaphore(%run_scoped3A : memref<!tpu.dma_semaphore, #tpu.memory_space<semaphore_mem>>) src(%dma_wait3A_102 : memref<4096xi32, #tpu.memory_space<hbm>>) dst(%arg8 : memref<4096xi32, #tpu.memory_space<vmem>>)
      tpu.yield
    }) : () -> ()
    %parallel_loop3A_92 = arith.constant 0 : i32
    %parallel_loop3A_93 = arith.constant 256 : i32
    %parallel_loop3A_94 = arith.constant 1 : i32
    scf.for %parallel_loop3A_95 = %parallel_loop3A_92 to %parallel_loop3A_93 step %parallel_loop3A_94  : i32 {
      %parallel_loop3A_96 = arith.constant 16 : i32
      %parallel_loop3A_97 = arith.muli %parallel_loop3A_95, %parallel_loop3A_96 : i32
      %parallel_loop3A_98 = arith.index_cast %parallel_loop3A_97 : i32 to index
      %parallel_loop3A_99 = tpu.vector_load %arg8[%parallel_loop3A_98] {strides = array<i32>} : memref<4096xi32, #tpu.memory_space<vmem>>, vector<16xi32>,
      %parallel_loop3A_100 = tpu.vector_load_idx %arg6[%parallel_loop3A_99] : memref<100000xf32, #tpu.memory_space<vmem>>[vector<16xi32>], vector<16xf32>,
      %parallel_loop3A_101 = arith.constant 12288 : i32
      %parallel_loop3A_102 = arith.addi %parallel_loop3A_101, %parallel_loop3A_97 : i32
      %parallel_loop3A_103 = arith.index_cast %parallel_loop3A_102 : i32 to index
      %parallel_loop3A_104 = tpu.vector_load %arg7[%parallel_loop3A_103] {strides = array<i32>} : memref<16384xf32, #tpu.memory_space<vmem>>, vector<16xf32>,
      %parallel_loop3A_105 = arith.mulf %parallel_loop3A_100, %parallel_loop3A_104 : vector<16xf32>
      %parallel_loop3A_106 = arith.index_cast %parallel_loop3A_97 : i32 to index
      %parallel_loop3A_107 = tpu.vector_load %arg9[%parallel_loop3A_106] {strides = array<i32>} : memref<4096xf32, #tpu.memory_space<vmem>>, vector<16xf32>,
      tpu.vector_store %arg9[%parallel_loop3A_106], %parallel_loop3A_105 {strides = array<i32>} : memref<4096xf32, #tpu.memory_space<vmem>>, vector<16xf32>,
      %parallel_loop3A_108 = arith.mulf %parallel_loop3A_100, %parallel_loop3A_100 : vector<16xf32>
      %parallel_loop3A_109 = arith.index_cast %parallel_loop3A_97 : i32 to index
      %parallel_loop3A_110 = tpu.vector_load %arg10[%parallel_loop3A_109] {strides = array<i32>} : memref<4096xf32, #tpu.memory_space<vmem>>, vector<16xf32>,
      tpu.vector_store %arg10[%parallel_loop3A_109], %parallel_loop3A_108 {strides = array<i32>} : memref<4096xf32, #tpu.memory_space<vmem>>, vector<16xf32>,
    } {sc.loop_unroll_factor = 8 : i64, sc.parallel_access}
    "tpu.region"() ({
      %run_scoped3A = tpu.sem_alloc : memref<!tpu.dma_semaphore, #tpu.memory_space<semaphore_mem>>
      %dma_start3A_95 = arith.constant 12288 : i32
      %dma_start3A_96 = tpu.memref_slice %arg5[%add3A_50, %dma_start3A_95] : memref<64x32768xf32, #tpu.memory_space<hbm>> -> memref<1x4096xf32, #tpu.memory_space<hbm>>
      %dma_start3A_97 = tpu.memref_squeeze %dma_start3A_96 : memref<1x4096xf32, #tpu.memory_space<hbm>> -> memref<4096xf32, #tpu.memory_space<hbm>>
      %dma_start3A_98 = arith.constant 12288 : i32
      %dma_start3A_99 = tpu.memref_slice %arg5[%add3A_50, %dma_start3A_98] : memref<64x32768xf32, #tpu.memory_space<hbm>> -> memref<1x4096xf32, #tpu.memory_space<hbm>>
      %dma_start3A_100 = tpu.memref_squeeze %dma_start3A_99 : memref<1x4096xf32, #tpu.memory_space<hbm>> -> memref<4096xf32, #tpu.memory_space<hbm>>
      tpu.enqueue_dma source(%arg9 : memref<4096xf32, #tpu.memory_space<vmem>>) target(%dma_start3A_100 : memref<4096xf32, #tpu.memory_space<hbm>>) target_semaphore(%run_scoped3A : memref<!tpu.dma_semaphore, #tpu.memory_space<semaphore_mem>>)
      %dma_wait3A_101 = arith.constant 12288 : i32
      %dma_wait3A_102 = tpu.memref_slice %arg5[%add3A_50, %dma_wait3A_101] : memref<64x32768xf32, #tpu.memory_space<hbm>> -> memref<1x4096xf32, #tpu.memory_space<hbm>>
      %dma_wait3A_103 = tpu.memref_squeeze %dma_wait3A_102 : memref<1x4096xf32, #tpu.memory_space<hbm>> -> memref<4096xf32, #tpu.memory_space<hbm>>
      %dma_wait3A_104 = arith.constant 12288 : i32
      %dma_wait3A_105 = tpu.memref_slice %arg5[%add3A_50, %dma_wait3A_104] : memref<64x32768xf32, #tpu.memory_space<hbm>> -> memref<1x4096xf32, #tpu.memory_space<hbm>>
      %dma_wait3A_106 = tpu.memref_squeeze %dma_wait3A_105 : memref<1x4096xf32, #tpu.memory_space<hbm>> -> memref<4096xf32, #tpu.memory_space<hbm>>
      tpu.wait_dma2 semaphore(%run_scoped3A : memref<!tpu.dma_semaphore, #tpu.memory_space<semaphore_mem>>) src(%arg9 : memref<4096xf32, #tpu.memory_space<vmem>>) dst(%dma_wait3A_106 : memref<4096xf32, #tpu.memory_space<hbm>>)
      tpu.yield
    }) : () -> ()
    "tpu.region"() ({
      %run_scoped3A = tpu.sem_alloc : memref<!tpu.dma_semaphore, #tpu.memory_space<semaphore_mem>>
      %dma_start3A_95 = arith.constant 28672 : i32
      %dma_start3A_96 = tpu.memref_slice %arg5[%add3A_50, %dma_start3A_95] : memref<64x32768xf32, #tpu.memory_space<hbm>> -> memref<1x4096xf32, #tpu.memory_space<hbm>>
      %dma_start3A_97 = tpu.memref_squeeze %dma_start3A_96 : memref<1x4096xf32, #tpu.memory_space<hbm>> -> memref<4096xf32, #tpu.memory_space<hbm>>
      %dma_start3A_98 = arith.constant 28672 : i32
      %dma_start3A_99 = tpu.memref_slice %arg5[%add3A_50, %dma_start3A_98] : memref<64x32768xf32, #tpu.memory_space<hbm>> -> memref<1x4096xf32, #tpu.memory_space<hbm>>
      %dma_start3A_100 = tpu.memref_squeeze %dma_start3A_99 : memref<1x4096xf32, #tpu.memory_space<hbm>> -> memref<4096xf32, #tpu.memory_space<hbm>>
      tpu.enqueue_dma source(%arg10 : memref<4096xf32, #tpu.memory_space<vmem>>) target(%dma_start3A_100 : memref<4096xf32, #tpu.memory_space<hbm>>) target_semaphore(%run_scoped3A : memref<!tpu.dma_semaphore, #tpu.memory_space<semaphore_mem>>)
      %dma_wait3A_101 = arith.constant 28672 : i32
      %dma_wait3A_102 = tpu.memref_slice %arg5[%add3A_50, %dma_wait3A_101] : memref<64x32768xf32, #tpu.memory_space<hbm>> -> memref<1x4096xf32, #tpu.memory_space<hbm>>
      %dma_wait3A_103 = tpu.memref_squeeze %dma_wait3A_102 : memref<1x4096xf32, #tpu.memory_space<hbm>> -> memref<4096xf32, #tpu.memory_space<hbm>>
      %dma_wait3A_104 = arith.constant 28672 : i32
      %dma_wait3A_105 = tpu.memref_slice %arg5[%add3A_50, %dma_wait3A_104] : memref<64x32768xf32, #tpu.memory_space<hbm>> -> memref<1x4096xf32, #tpu.memory_space<hbm>>
      %dma_wait3A_106 = tpu.memref_squeeze %dma_wait3A_105 : memref<1x4096xf32, #tpu.memory_space<hbm>> -> memref<4096xf32, #tpu.memory_space<hbm>>
      tpu.wait_dma2 semaphore(%run_scoped3A : memref<!tpu.dma_semaphore, #tpu.memory_space<semaphore_mem>>) src(%arg10 : memref<4096xf32, #tpu.memory_space<vmem>>) dst(%dma_wait3A_106 : memref<4096xf32, #tpu.memory_space<hbm>>)
      tpu.yield
    }) : () -> ()
    return
  }
}

</mosaic_0001>

<sc_bundles>
// kernel: _sc_dot.3.cloned.1.call-start
scs
__scs_entry_jumppad:
0x0: {  	(pc) =	sbr.rel $0x88, $3  }
0x1: {  	(tag) =	ssettag $0x0;
	lr =	simm.s32 $0x1  }
0x2: {  	[smem:$0x3F9E] =	sst lr;
	_ =	strace $0xD0000000  }
0x3: {  	_ = 	snop  }
0x4: {  	_ = 	snop  }
0x5: {  	_ = 	snop  }
0x6: {  	_ = 	snop  }
0x7: {  	_ = 	snop  }
__scs_overlays_trampoline_lowered:
0x8: {  	[smem:$0x3FAD] =	sst s0  }
0x9: {  	[smem:$0x3FAE] =	sst s1  }
0xa: {  	[smem:$0x3FAF] =	sst s2  }
0xb: {  	[smem:$0x3FB0] =	sst s3  }
0xc: {  	[smem:$0x3FB1] =	sst s4  }
0xd: {  	[smem:$0x3FB2] =	sst s5  }
0xe: {  	[smem:$0x3FB3] =	sst s6  }
0xf: {  	[smem:$0x3FB4] =	sst s7  }
0x10: {  	[smem:$0x3FB5] =	sst s8  }
0x11: {  	[smem:$0x3FB6] =	sst s9;
	s0 =	simm.s32 @!p0 $0x0  }
0x12: {  	s1 =	sld [smem:$0x3F9C];
	s0 =	simm.s32 @p0 $0x1  }
0x13: {  	[smem:$0x3FB7] =	sst s0;
	s0 =	simm.s32 @!p1 $0x0  }
0x14: {  	s2 =	sld [smem:$0x3F9B];
	s0 =	simm.s32 @p1 $0x1  }
0x15: {  	[smem:$0x3FB8] =	sst s0;
	s0 =	simm.s32 @!p2 $0x0  }
0x16: {  	s3 =	sld [smem:$0x3FDB];
	s0 =	simm.s32 @p2 $0x1  }
0x17: {  	s4 =	simm.s32 $0x1BF5;
	[smem:$0x3FBA] =	sst s0  }
0x18: {  	s0 =	sld [smem:$0x3F9D];
	_ =	swait.ge [sflag:s4], $0x0  }
0x19: {  	s7 =	sld [smem:$0x3F9E]  }
0x1a: {  	s8 =	sadd.s32 $0xFFFFE003, lr  }
0x1b: {  	s9 =	sadd.s32 $0xFFFFFEF7, lr;
	s5 =	simm.s32 $0xFFFFFFFF;
	p2 =	slt.u32 s8, $0xFFFFF086  }
0x1c: {  	p1 =	slt.u32 s9, $0xF7A;
	s5 =	simm.s32 @!p2 $0x0  }
0x1d: {  	s5 =	simm.s32 @p1 $0x1;
	p0 =	seq.s32 s7, s2  }
0x1e: {  	s7 =	smul.u32 @!p0 $0xF7A, s2;
	p2 =	seq.s32 @!p0 s5, $0x0  }
0x1f: {  	s9 =	smul.u32 $0xF7A, s1;
	s8 =	simm.s32 @!p0 $0x1BF5;
	p2 =	por !p2, p0  }
0x20: {  	[sflag:s8] =	ssyncset.s32 @!p0 $0xFFFFF086;
	s6 =	sadd.s32 @!p0 s3, s7;
	s7 =	simm.s32 @!p0 $0x108  }
0x21: {  	s3 =	sadd.s32 s3, s9;
	s6 =	sadd.s32 @!p0 $0x88, s6;
	s7 =	simm.s32 @p2 $0x1082  }
0x22: {  	[simem:s7], [sflag:s8] =	dma.local @!p0 [hbm:s6], $0xF7A  }
0x23: {  	s9 =	sor.u32 $0xD0000000, s2;
	s6 =	simm.s32 $0x108;
	_ =	swait.ge @!p0 [sflag:s8], $0x0  }
0x24: {  	s3 =	sadd.s32 $0x88, s3;
	s6 =	simm.s32 @!p1 $0x1082;
	[sflag:s4] =	ssyncset.s32 $0xFFFFF086  }
0x25: {  	[simem:s6], [sflag:s4] =	dma.local [hbm:s3], $0xF7A  }
0x26: {  	[smem:$0x3F9E] =	sst s1;
	(tag) =	ssettag s2;
	_ =	strace s9  }
0x27: {  	s1 =	sld [smem:$0x3FAE]  }
0x28: {  	s2 =	sld [smem:$0x3FAF]  }
0x29: {  	s4 =	sld [smem:$0x3FB1]  }
0x2a: {  	p0 =	seq.s32 s5, $0x0;
	s5 =	sld [smem:$0x3FB2]  }
0x2b: {  	s6 =	sld [smem:$0x3FB3]  }
0x2c: {  	s7 =	sld [smem:$0x3FB4]  }
0x2d: {  	s3 =	simm.s32 $0x108;
	s8 =	sld [smem:$0x3FB5]  }
0x2e: {  	s3 =	simm.s32 @!p0 $0x1082;
	s9 =	sld [smem:$0x3FB6]  }
0x2f: {  	lr =	sadd.s32 s0, s3;
	s0 =	sld [smem:$0x3FAD]  }
0x30: {  	s3 =	sld [smem:$0x3FB0]  }
0x31: {  	[smem:$0x3FB9] =	sst s10  }
0x32: {  	s10 =	sld [smem:$0x3FB7];
	_ =	sdelay $0x3  }
0x33: {  	p0 =	seq.s32 s10, $0x1;
	s10 =	sld [smem:$0x3FB9];
	_ =	sdelay $0x3  }
0x34: {  	[smem:$0x3FB9] =	sst s10  }
0x35: {  	s10 =	sld [smem:$0x3FB8];
	_ =	sdelay $0x3  }
0x36: {  	p1 =	seq.s32 s10, $0x1;
	s10 =	sld [smem:$0x3FB9];
	_ =	sdelay $0x3  }
0x37: {  	[smem:$0x3FB9] =	sst s10  }
0x38: {  	s10 =	sld [smem:$0x3FBA]  }
0x39: {  	_ = 	snop;
	(pc) =	sbr.ind lr, $3  }
0x3a: {  	_ = 	snop  }
0x3b: {  	_ = 	snop  }
0x3c: {  	p2 =	seq.s32 s10, $0x1;
	s10 =	sld [smem:$0x3FB9]  }
0x3d: {  	_ =	shalt  }
0x3e: {  	_ =	shalt  }
0x3f: {  	_ =	shalt  }
0x40: {  	_ =	shalt  }
0x41: {  	_ =	shalt  }
0x42: {  	_ =	shalt  }
0x43: {  	_ =	shalt  }
0x44: {  	_ =	shalt  }
0x45: {  	_ =	shalt  }
0x46: {  	_ =	shalt  }
0x47: {  	_ =	shalt  }
0x48: {  	_ =	shalt  }
0x49: {  	_ =	shalt  }
0x4a: {  	_ =	shalt  }
0x4b: {  	_ =	shalt  }
0x4c: {  	_ =	shalt  }
0x4d: {  	_ =	shalt  }
0x4e: {  	_ =	shalt  }
0x4f: {  	_ =	shalt  }
0x50: {  	_ =	shalt  }
0x51: {  	_ =	shalt  }
0x52: {  	_ =	shalt  }
0x53: {  	_ =	shalt  }
0x54: {  	_ =	shalt  }
0x55: {  	_ =	shalt  }
0x56: {  	_ =	shalt  }
0x57: {  	_ =	shalt  }
0x58: {  	_ =	shalt  }
0x59: {  	_ =	shalt  }
0x5a: {  	_ =	shalt  }
0x5b: {  	_ =	shalt  }
0x5c: {  	_ =	shalt  }
0x5d: {  	_ =	shalt  }
0x5e: {  	_ =	shalt  }
0x5f: {  	_ =	shalt  }
0x60: {  	_ =	shalt  }
0x61: {  	_ =	shalt  }
0x62: {  	_ =	shalt  }
0x63: {  	_ =	shalt  }
0x64: {  	_ =	shalt  }
0x65: {  	_ =	shalt  }
0x66: {  	_ =	shalt  }
0x67: {  	_ =	shalt  }
0x68: {  	_ =	shalt  }
0x69: {  	_ =	shalt  }
0x6a: {  	_ =	shalt  }
0x6b: {  	_ =	shalt  }
0x6c: {  	_ =	shalt  }
0x6d: {  	_ =	shalt  }
0x6e: {  	_ =	shalt  }
0x6f: {  	_ =	shalt  }
0x70: {  	_ =	shalt  }
0x71: {  	_ =	shalt  }
0x72: {  	_ =	shalt  }
0x73: {  	_ =	shalt  }
0x74: {  	_ =	shalt  }
0x75: {  	_ =	shalt  }
0x76: {  	_ =	shalt  }
0x77: {  	_ =	shalt  }
0x78: {  	_ =	shalt  }
0x79: {  	_ =	shalt  }
0x7a: {  	_ =	shalt  }
0x7b: {  	_ =	shalt  }
0x7c: {  	_ =	shalt  }
0x7d: {  	_ =	shalt  }
0x7e: {  	_ =	shalt  }
0x7f: {  	_ =	shalt  }
0x80: {  	_ =	shalt  }
0x81: {  	_ =	shalt  }
0x82: {  	_ =	shalt  }
0x83: {  	_ =	shalt  }
0x84: {  	_ =	shalt  }
0x85: {  	_ =	shalt  }
0x86: {  	_ =	shalt  }
0x87: {  	_ =	shalt  }
.Lfunc_end0:
.L_simem_size_0:
called_computation_lowered:
.L_overlay_start_0:
0x88: {  	s2 =	sld [smem:$0x3FD9]  }
0x89: {  	s3 =	sld [smem:$0x3FFE];
	_ =	sdelay $0x1  }
0x8a: {  	s1 =	srdreg.scid  }
0x8b: {  	s0 =	sand.u32 $0x1, s1  }
0x8c: {  	s18 =	sshll.u32 s0, $0xA;
	s2 =	sadd.s32 s3, s2  }
0x8d: {  	s2 =	sadd.s32 s2, s18  }
0x8e: {  	[smem:$0x3FC5] =	sst s2  }
0x8f: {  	_ = 	snop  }
0x90: {  	s2 =	sld [smem:$0x3FC9]  }
0x91: {  	s19 =	sld [smem:$0x3FC8]  }
0x92: {  	s4 =	sld [smem:$0x3FC7]  }
0x93: {  	s5 =	sld [smem:$0x3FD0];
	(tm) =	ssettm $0x1  }
0x94: {  	s6 =	sld [smem:$0x3FFB];
	_ =	sdelay $0x3  }
0x95: {  	_ =	strace s6  }
0x96: {  	s6 =	sld [smem:$0x3FFC];
	_ =	sdelay $0x3  }
0x97: {  	_ =	strace s6  }
0x98: {  	s6 =	sld [smem:$0x3FFD];
	_ =	sdelay $0x3  }
0x99: {  	_ =	strace s6  }
0x9a: {  	_ =	strace $0x8FFFFFFF  }
0x9b: {  	s20 =	sld [smem:$0x3FDB];
	_ =	sdelay $0x1  }
0x9c: {  	s7 =	simm.s32 $_scs_section_size  }
0x9d: {  	s8 =	simm.s32 $_size__tile_overlayer_lowered;
	s9 =	simm.s32 $_tile_overlayer_lowered  }
0x9e: {  	s23 =	simm.s32 $0x1BFF;
	s22 =	sshll.u32 s9, $0x1;
	s6 =	sadd.s32 s7, s20  }
0x9f: {  	s10 =	simm.s32 $0x0;
	s21 =	sshll.u32 s8, $0x1;
	s8 =	sadd.s32 s22, s6  }
0xa0: {  	[timem:s10], [sflag:s23] =	dma.local [hbm:s8], s21  }
0xa1: {  	_ =	swait.ge [sflag:s23], s21  }
0xa2: {  	s7 =	ssub.s32 $0x0, s21;
	[sflag:s23] =	ssyncset.done $0x0  }
0xa3: {  	[sflag:s23] =	ssyncadd.s32 s7;
	_ =	sdelay $0x1  }
0xa4: {  	s24 =	simm.s32 $0x1B8B  }
0xa5: {  	_ =	swait.ge [sflag:s24], $0x1  }
0xa6: {  	[sflag:s24] =	ssyncset.done $0x0  }
0xa7: {  	s25 =	simm.s32 $0x1B8E;
	[sflag:s24] =	ssyncadd.s32 $0xFFFFFFFF  }
0xa8: {  	s26 =	simm.s32 $execute0_lowered;
	[smem:$0x3FD2] =	sst s25  }
0xa9: {  	s7 =	sshll.u32 s26, $0x1;
	_ =	strace $0x80000046;
	[dreg:$0x1] =	wrdreg $0xFFFFFFFF  }
0xaa: {  	s28 =	simm.s32 $_size_execute0_lowered;
	s6 =	sadd.s32 s6, s7;
	[dreg:$0x0] =	wrdreg $0x0  }
0xab: {  	s7 =	sshll.u32 s28, $0x1;
	[dreg:$0x2] =	wrdreg s6  }
0xac: {  	[dreg:$0x3] =	wrdreg s7  }
0xad: {  	[dreg:$0x4] =	wrdreg $0xC0  }
0xae: {  	_ =	task [dreg:s10], $0x5FFFF  }
0xaf: {  	[dreg:$0x1] =	wrdreg $0xFFFFFFFF  }
0xb0: {  	[dreg:$0x0] =	wrdreg $0x60  }
0xb1: {  	[dreg:$0x2] =	wrdreg s2  }
0xb2: {  	[dreg:$0x3] =	wrdreg s19  }
0xb3: {  	[dreg:$0x4] =	wrdreg s4  }
0xb4: {  	[dreg:$0x5] =	wrdreg s5  }
0xb5: {  	[dreg:$0x6] =	wrdreg $0x9  }
0xb6: {  	_ =	task.clear_ibuf [dreg:s10], $0x7FFFF;
	_ =	strace $0x90000046  }
0xb7: {  	s29 =	simm.s32 $0x9;
	_ =	strace $0x80000048  }
0xb8: {  	_ =	swait.ge [sflag:s29], $0x1  }
0xb9: {  	[sflag:s29] =	ssyncadd.s32 $0xFFFFFFFF  }
0xba: {  	_ =	strace $0x90000048  }
0xbb: {  	_ =	sfence  }
0xbc: {  	s30 =	sld [smem:$0x0];
	_ =	sdelay $0x2  }
0xbd: {  	s31 =	sshll.u32 s1, $0xD;
	s1 =	sshrl.u32 s1, $0x2  }
0xbe: {  	s3 =	sand.u32 $0x4000, s31;
	s1 =	sadd.s32 s1, s30  }
0xbf: {  	s0 =	sor.u32 s3, s0;
	s1 =	sshll.u32 s1, $0x11  }
0xc0: {  	s0 =	sor.u32 s1, s0  }
0xc1: {  	s0 =	sadd.s32 $0x8F2B, s0  }
0xc2: {  	[sflag:s0] =	ssyncadd.remote.s32 $0x1  }
0xc3: {  	_ =	sfence.sel $0xFFFF  }
0xc4: {  	[dreg:$0x0] =	wrdreg $0xFFFFFFFF;
	(pc) =	sbr.abs _section_cstart, $3  }
0xc5: {  	[dreg:$0x1] =	wrdreg $0xFFFFFFFF  }
0xc6: {  	_ =	task.clear_ibuf [dreg:s10], $0x2FFFF;
	_ =	strace $0x9FFFFFFF  }
0xc7: {  	(tm) =	ssettm $0x7FFFFFFF  }
tec
execute0_lowered:
.L_overlay_start_1:
0x0: {  	(tag) =	ssettag $0x1  }
0x1: {  	s1 =	rddreg [dreg:$0x0]  }
0x2: {  	s2 =	rddreg [dreg:$0x1]  }
0x3: {  	s28 =	rddreg [dreg:$0x2]  }
0x4: {  	s0 =	rddreg [dreg:$0x3];
	s3 =	srdreg.scid  }
0x5: {  	s8 =	stileid.u32;
	s29 =	simm.s32 $0x80;
	s30 =	simm.s32 $0x400  }
0x6: {  	s31 =	simm.s32 $0x18700;
	s4 =	sand.u32 $0x1, s3;
	s3 =	simm.s32 $0x0  }
0x7: {  	s6 =	sshll.u32 s8, $0x1;
	s8 =	sshll.u32 s8, $0x8;
	s25 =	sadd.s32 $0x4000, s0  }
0x8: {  	s18 =	sadd.s32 $0x1000, s0;
	s19 =	sadd.s32 $0x5000, s0;
	s5 =	sshll.u32 s4, $0x5  }
0x9: {  	[smem:$0x7FF] =	sst s3;
	s4 =	ssub.s32 $0x2, s4;
	s8 =	sand.u32 $0x300, s8  }
0xa: {  	s5 =	sor.u32 s6, s5;
	_ =	strace $0x80000047;
	s20 =	sshrl.u32 s4, $0x1  }
0xb: {  	s16 =	sor.u32 $0x80, s8;
	s7 =	sshrl.u32 s5, $0x3;
	s4 =	ssub.s32 s4, s20  }
0xc: {  	s5 =	sshll.u32 s5, $0xF;
	s21 =	smul.u32 $0xC3800, s7;
	s7 =	sshll.u32 s7, $0x11  }
0xd: {  	s20 =	sadd.s32 $0x2000, s0;
	s11 =	sand.u32 $0x1C0000, s5;
	s10 =	sor.u32 s8, s7  }
0xe: {  	s12 =	sor.u32 s8, s11;
	s7 =	sor.u32 s16, s7;
	s9 =	sor.u32 s8, s21  }
0xf: {  	s10 =	sshrl.u32 s10, $0x3;
	s23 =	sshrl.u32 s12, $0x3;
	s8 =	sor.u32 s8, s5  }
0x10: {  	s6 =	sor.u32 s16, s21;
	s17 =	sshrl.u32 s7, $0x3;
	s21 =	sadd.s32 $0x3000, s0  }
0x11: {  	s5 =	sor.u32 s16, s5;
	s7 =	simm.s32 $0x0;
	s22 =	sadd.s32 s2, s10  }
0x12: {  	s9 =	sshrl.u32 s9, $0x3;
	s24 =	sadd.s32 s0, s23;
	[dreg:$0x6] =	wrdreg s22  }
0x13: {  	s12 =	sadd.s32 s23, s25;
	s26 =	sadd.s32 s23, s18;
	[dreg:$0x7] =	wrdreg s24  }
0x14: {  	s13 =	sadd.s32 s23, s19;
	s14 =	sadd.s32 s23, s20;
	[dreg:$0x8] =	wrdreg s12  }
0x15: {  	s8 =	sshrl.u32 s8, $0x3;
	s6 =	sshrl.u32 s6, $0x3;
	[dreg:$0x9] =	wrdreg s26  }
0x16: {  	s5 =	sshrl.u32 s5, $0x3;
	s9 =	sadd.s32 s1, s9;
	[dreg:$0xa] =	wrdreg s13  }
0x17: {  	[dreg:$0xb] =	wrdreg s14;
	s1 =	sadd.s32 s1, s6;
	s15 =	sor.u32 $0x6000, s8  }
0x18: {  	s13 =	sadd.s32 s2, s17;
	s14 =	sadd.s32 s23, s21;
	s22 =	sor.u32 $0x7000, s8  }
0x19: {  	s23 =	sor.u32 s16, s11;
	s26 =	sor.u32 $0x7000, s5;
	[dreg:$0x5] =	wrdreg s9  }
0x1a: {  	s12 =	smov.u32 s28;
	s6 =	simm.s32 $0x1E700;
	[dreg:$0xc] =	wrdreg s1  }
0x1b: {  	s1 =	sadd.s32 s0, s15;
	s15 =	sadd.s32 s0, s22;
	s24 =	sshrl.u32 s23, $0x3  }
0x1c: {  	s23 =	sadd.s32 s0, s26;
	s26 =	sadd.s32 $0x400, s28;
	[dreg:$0xd] =	wrdreg s1  }
0x1d: {  	s16 =	sadd.s32 s0, s24;
	s17 =	sadd.s32 s24, s25;
	s18 =	sadd.s32 s24, s18  }
0x1e: {  	s19 =	sadd.s32 s24, s19;
	s20 =	sadd.s32 s24, s20;
	s21 =	sadd.s32 s24, s21  }
0x1f: {  	s25 =	sor.u32 $0x6000, s5;
	s24 =	sadd.s32 $0x200, s28;
	s28 =	sadd.s32 $0x600, s28  }
0x20: {  	s1 =	simm.s32 $0x1C700;
	s5 =	simm.s32 $0x1D700;
	s22 =	sadd.s32 s0, s25  }
0x21: {  	s25 =	smax.u32 s4, $0x1;
	s0 =	simm.s32 $0x1;
	s4 =	simm.s32 $0x2  }
.LBB2_1:
0x22: {  	s2 =	rddreg [dreg:$0x5]  }
0x23: {  	[tilespmem:s3], [sflag:$0x1] =	stream.strided.gather [hbm4b:s2+s29], $0x18700, s30, s29, $0x38;
	[tilespmem:$0x1F700] =	vst v63  }
0x24: {  	s10 =	rddreg [dreg:$0x6]  }
0x25: {  	[tilespmem:s31], [sflag:$0x1] =	stream.strided.gather [hbm4b:s10+s29], $0x4000, s30, s29, $0x38;
	[tilespmem:$0x1F700] =	vst v63  }
0x26: {  	_ =	swait.ge [sflag:s0], $0x18700  }
0x27: {  	[sflag:s0] =	ssyncset.done $0x0  }
0x28: {  	[sflag:s0] =	ssyncadd.s32 $0xFFFE7900  }
0x29: {  	_ =	swait.ge [sflag:s0], $0x4000  }
0x2a: {  	[sflag:s0] =	ssyncset.done $0x0  }
0x2b: {  	[sflag:s0] =	ssyncadd.s32 $0xFFFFC000  }
0x2c: {  	[tilespmem:s1], [sflag:$0x2] =	stream.linear.gather [hbm4b:s12+s3], $0x1000, $0x38;
	[tilespmem:$0x1F700] =	vst v63  }
0x2d: {  	_ =	swait.ge [sflag:s4], $0x1000  }
0x2e: {  	[sflag:s4] =	ssyncset.done $0x0  }
0x2f: {  	s11 =	simm.s32 $0x1C740;
	[sflag:s4] =	ssyncadd.s32 $0xFFFFF000  }
0x30: {  	v0 =	vld [tilespmem:s11+$0x30]  }
0x31: {  	v1 =	vld [tilespmem:s11+$0xFFFFFFD0]  }
0x32: {  	v2 =	vld [tilespmem:s11+$0xFFFFFFE0]  }
0x33: {  	v3 =	vld [tilespmem:s11+$0xFFFFFFF0]  }
0x34: {  	v6 =	vld [tilespmem:s11+$0x0]  }
0x35: {  	v7 =	vld [tilespmem:s11+$0x10]  }
0x36: {  	v8 =	vld [tilespmem:s11+$0x20]  }
0x37: {  	s8 =	simm.s32 $0x18740;
	v9 =	vld [tilespmem:s11+$0xFFFFFFC0]  }
0x38: {  	v11 =	vld [tilespmem:s8+$0x30]  }
0x39: {  	v13 =	vld [tilespmem:s8+$0xFFFFFFC0]  }
0x3a: {  	v17 =	vld [tilespmem:s8+$0xFFFFFFD0]  }
0x3b: {  	v10 =	vld.idx.msk [tilespmem:v0+s3+$0x0], $0xffff  }
0x3c: {  	v15 =	vld.idx.msk [tilespmem:v1+s3+$0x0], $0xffff  }
0x3d: {  	v5 =	vld.idx.msk [tilespmem:v2+s3+$0x0], $0xffff  }
0x3e: {  	v4 =	vld.idx.msk [tilespmem:v3+s3+$0x0], $0xffff  }
0x3f: {  	v1 =	vld.idx.msk [tilespmem:v6+s3+$0x0], $0xffff  }
0x40: {  	v0 =	vld.idx.msk [tilespmem:v7+s3+$0x0], $0xffff  }
0x41: {  	v7 =	vld.idx.msk [tilespmem:v9+s3+$0x0], $0xffff  }
0x42: {  	v2 =	vld.idx.msk [tilespmem:v8+s3+$0x0], $0xffff;
	v16 =	vmul.f32 v11, v10  }
0x43: {  	v14 =	vld [tilespmem:s8+$0xFFFFFFE0];
	v19 =	vmul.f32 v10, v10;
	v10 =	vmul.f32 v15, v15  }
0x44: {  	v9 =	vmul.f32 v5, v5;
	v8 =	vmul.f32 v4, v4;
	v11 =	vld [tilespmem:s8+$0xFFFFFFF0]  }
0x45: {  	s9 =	simm.s32 $0x1D740;
	v12 =	vld [tilespmem:s8+$0x0];
	v6 =	vmul.f32 v1, v1;
	v3 =	vmul.f32 v0, v0  }
0x46: {  	s10 =	simm.s32 $0x1E740;
	v18 =	vmul.f32 v13, v7;
	v13 =	vld [tilespmem:s8+$0x10];
	v17 =	vmul.f32 v17, v15;
	[tilespmem:s9+$0x30] =	vst v16  }
0x47: {  	s2 =	simm.s32 $0x0;
	s11 =	simm.s32 $0x1C7C0;
	v15 =	vld [tilespmem:s8+$0x20];
	v16 =	vmul.f32 v7, v7;
	v7 =	vmul.f32 v2, v2;
	[tilespmem:s10+$0x30] =	vst v19  }
.LBB2_2:
0x48: {  	v19 =	vld [tilespmem:s11+$0x30];
	[tilespmem:s9+$0xFFFFFFC0] =	vst v18;
	v5 =	vmul.f32 v14, v5  }
0x49: {  	s2 =	sadd.s32 $0x8, s2;
	v14 =	vld [tilespmem:s11+$0xFFFFFFD0];
	[tilespmem:s10+$0xFFFFFFC0] =	vst v16;
	v4 =	vmul.f32 v11, v4  }
0x4a: {  	p0 =	slt.u32 s2, $0xF8;
	v11 =	vld [tilespmem:s11+$0xFFFFFFE0];
	[tilespmem:s9+$0xFFFFFFD0] =	vst v17;
	v1 =	vmul.f32 v12, v1  }
0x4b: {  	v12 =	vld [tilespmem:s11+$0xFFFFFFF0];
	[tilespmem:s10+$0xFFFFFFD0] =	vst v10;
	v0 =	vmul.f32 v13, v0  }
0x4c: {  	v10 =	vld [tilespmem:s11+$0x0];
	[tilespmem:s9+$0xFFFFFFE0] =	vst v5;
	v2 =	vmul.f32 v15, v2  }
0x4d: {  	v13 =	vld [tilespmem:s11+$0x10];
	[tilespmem:s10+$0xFFFFFFE0] =	vst v9  }
0x4e: {  	v9 =	vld [tilespmem:s11+$0x20];
	[tilespmem:s9+$0xFFFFFFF0] =	vst v4  }
0x4f: {  	v15 =	vld [tilespmem:s11+$0xFFFFFFC0];
	[tilespmem:s10+$0xFFFFFFF0] =	vst v8  }
0x50: {  	s8 =	sadd.s32 $0x80, s8;
	v8 =	vld.idx.msk [tilespmem:v19+s3+$0x0], $0xffff;
	[tilespmem:s9+$0x0] =	vst v1  }
0x51: {  	v16 =	vld [tilespmem:s8+$0x30];
	[tilespmem:s10+$0x0] =	vst v6  }
0x52: {  	v17 =	vld.idx.msk [tilespmem:v14+s3+$0x0], $0xffff;
	[tilespmem:s9+$0x10] =	vst v0  }
0x53: {  	v5 =	vld.idx.msk [tilespmem:v11+s3+$0x0], $0xffff;
	[tilespmem:s10+$0x10] =	vst v3  }
0x54: {  	v4 =	vld.idx.msk [tilespmem:v12+s3+$0x0], $0xffff;
	[tilespmem:s9+$0x20] =	vst v2  }
0x55: {  	v1 =	vld.idx.msk [tilespmem:v10+s3+$0x0], $0xffff;
	[tilespmem:s10+$0x20] =	vst v7  }
0x56: {  	v0 =	vld.idx.msk [tilespmem:v13+s3+$0x0], $0xffff;
	v3 =	vmul.f32 v16, v8  }
0x57: {  	s9 =	sadd.s32 $0x80, s9;
	v6 =	vmul.f32 v8, v8;
	v7 =	vld.idx.msk [tilespmem:v15+s3+$0x0], $0xffff  }
0x58: {  	s10 =	sadd.s32 $0x80, s10;
	v10 =	vmul.f32 v17, v17;
	v2 =	vld.idx.msk [tilespmem:v9+s3+$0x0], $0xffff;
	[tilespmem:s9+$0x30] =	vst v3  }
0x59: {  	v9 =	vmul.f32 v5, v5;
	v13 =	vld [tilespmem:s8+$0xFFFFFFC0];
	[tilespmem:s10+$0x30] =	vst v6  }
0x5a: {  	v8 =	vmul.f32 v4, v4;
	v15 =	vld [tilespmem:s8+$0xFFFFFFD0]  }
.Ltmp0:
0x5b: {  	v6 =	vmul.f32 v1, v1;
	v14 =	vld [tilespmem:s8+$0xFFFFFFE0];
	(pc) =	sbr.rel @p0 .LBB2_2-.Ltmp0, $4  }
0x5c: {  	v3 =	vmul.f32 v0, v0;
	v11 =	vld [tilespmem:s8+$0xFFFFFFF0]  }
0x5d: {  	v16 =	vmul.f32 v7, v7;
	v12 =	vld [tilespmem:s8+$0x0]  }
0x5e: {  	v18 =	vmul.f32 v13, v7;
	v13 =	vld [tilespmem:s8+$0x10];
	v7 =	vmul.f32 v2, v2  }
0x5f: {  	s11 =	sadd.s32 $0x80, s11;
	v17 =	vmul.f32 v15, v17;
	v15 =	vld [tilespmem:s8+$0x20]  }
0x60: {  	[tilespmem:s9+$0xFFFFFFC0] =	vst v18  }
0x61: {  	[tilespmem:s10+$0xFFFFFFC0] =	vst v16  }
0x62: {  	v5 =	vmul.f32 v14, v5;
	[tilespmem:s9+$0xFFFFFFD0] =	vst v17  }
0x63: {  	[tilespmem:s10+$0xFFFFFFD0] =	vst v10  }
0x64: {  	v4 =	vmul.f32 v11, v4;
	[tilespmem:s9+$0xFFFFFFE0] =	vst v5  }
0x65: {  	[tilespmem:s10+$0xFFFFFFE0] =	vst v9  }
0x66: {  	v1 =	vmul.f32 v12, v1;
	[tilespmem:s9+$0xFFFFFFF0] =	vst v4  }
0x67: {  	[tilespmem:s10+$0xFFFFFFF0] =	vst v8  }
0x68: {  	v0 =	vmul.f32 v13, v0;
	[tilespmem:s9+$0x0] =	vst v1  }
0x69: {  	[tilespmem:s10+$0x0] =	vst v6  }
0x6a: {  	v1 =	vmul.f32 v15, v2;
	[tilespmem:s9+$0x10] =	vst v0  }
0x6b: {  	[tilespmem:s10+$0x10] =	vst v3  }
0x6c: {  	[tilespmem:s9+$0x20] =	vst v1  }
0x6d: {  	[tilespmem:s10+$0x20] =	vst v7  }
0x6e: {  	s2 =	rddreg [dreg:$0x7]  }
0x6f: {  	[hbm4b:s2+s29] =	stream.strided.scatter [tilespmem:s5], [sflag:$0x2], $0x1000, s30, s29, $0x38;
	[tilespmem:$0x1F700] =	vst v63  }
0x70: {  	_ =	swait.ge [sflag:s4], $0x1000  }
0x71: {  	[sflag:s4] =	ssyncset.done $0x0  }
0x72: {  	s10 =	rddreg [dreg:$0x8];
	[sflag:s4] =	ssyncadd.s32 $0xFFFFF000  }
0x73: {  	[hbm4b:s10+s29] =	stream.strided.scatter [tilespmem:s6], [sflag:$0x2], $0x1000, s30, s29, $0x38;
	[tilespmem:$0x1F700] =	vst v63  }
0x74: {  	_ =	swait.ge [sflag:s4], $0x1000  }
0x75: {  	[sflag:s4] =	ssyncset.done $0x0  }
0x76: {  	[sflag:s4] =	ssyncadd.s32 $0xFFFFF000  }
0x77: {  	[tilespmem:s1], [sflag:$0x2] =	stream.linear.gather [hbm4b:s24+s3], $0x1000, $0x38;
	[tilespmem:$0x1F700] =	vst v63  }
0x78: {  	_ =	swait.ge [sflag:s4], $0x1000  }
0x79: {  	[sflag:s4] =	ssyncset.done $0x0  }
0x7a: {  	s11 =	simm.s32 $0x1C740;
	[sflag:s4] =	ssyncadd.s32 $0xFFFFF000  }
0x7b: {  	v0 =	vld [tilespmem:s11+$0x30]  }
0x7c: {  	v1 =	vld [tilespmem:s11+$0xFFFFFFD0]  }
0x7d: {  	v2 =	vld [tilespmem:s11+$0xFFFFFFE0]  }
0x7e: {  	v3 =	vld [tilespmem:s11+$0xFFFFFFF0]  }
0x7f: {  	v6 =	vld [tilespmem:s11+$0x0]  }
0x80: {  	v7 =	vld [tilespmem:s11+$0x10]  }
0x81: {  	v8 =	vld [tilespmem:s11+$0x20]  }
0x82: {  	s8 =	simm.s32 $0x19770;
	v9 =	vld [tilespmem:s11+$0xFFFFFFC0]  }
0x83: {  	v11 =	vld [tilespmem:s8+$0x0]  }
0x84: {  	v13 =	vld [tilespmem:s8+$0xFFFFFF90]  }
0x85: {  	v17 =	vld [tilespmem:s8+$0xFFFFFFA0]  }
0x86: {  	v10 =	vld.idx.msk [tilespmem:v0+s3+$0x0], $0xffff  }
0x87: {  	v15 =	vld.idx.msk [tilespmem:v1+s3+$0x0], $0xffff  }
0x88: {  	v5 =	vld.idx.msk [tilespmem:v2+s3+$0x0], $0xffff  }
0x89: {  	v4 =	vld.idx.msk [tilespmem:v3+s3+$0x0], $0xffff  }
0x8a: {  	v1 =	vld.idx.msk [tilespmem:v6+s3+$0x0], $0xffff  }
0x8b: {  	v0 =	vld.idx.msk [tilespmem:v7+s3+$0x0], $0xffff  }
0x8c: {  	v7 =	vld.idx.msk [tilespmem:v9+s3+$0x0], $0xffff  }
0x8d: {  	v2 =	vld.idx.msk [tilespmem:v8+s3+$0x0], $0xffff;
	v16 =	vmul.f32 v11, v10  }
0x8e: {  	v14 =	vld [tilespmem:s8+$0xFFFFFFB0];
	v19 =	vmul.f32 v10, v10;
	v10 =	vmul.f32 v15, v15  }
0x8f: {  	v9 =	vmul.f32 v5, v5;
	v8 =	vmul.f32 v4, v4;
	v11 =	vld [tilespmem:s8+$0xFFFFFFC0]  }
0x90: {  	s9 =	simm.s32 $0x1D740;
	v12 =	vld [tilespmem:s8+$0xFFFFFFD0];
	v6 =	vmul.f32 v1, v1;
	v3 =	vmul.f32 v0, v0  }
0x91: {  	s10 =	simm.s32 $0x1E740;
	v18 =	vmul.f32 v13, v7;
	v13 =	vld [tilespmem:s8+$0xFFFFFFE0];
	v17 =	vmul.f32 v17, v15;
	[tilespmem:s9+$0x30] =	vst v16  }
0x92: {  	s2 =	simm.s32 $0x0;
	s11 =	simm.s32 $0x1C7C0;
	v15 =	vld [tilespmem:s8+$0xFFFFFFF0];
	v16 =	vmul.f32 v7, v7;
	v7 =	vmul.f32 v2, v2;
	[tilespmem:s10+$0x30] =	vst v19  }
.LBB2_4:
0x93: {  	v19 =	vld [tilespmem:s11+$0x30];
	[tilespmem:s9+$0xFFFFFFC0] =	vst v18;
	v5 =	vmul.f32 v14, v5  }
0x94: {  	s2 =	sadd.s32 $0x8, s2;
	v14 =	vld [tilespmem:s11+$0xFFFFFFD0];
	[tilespmem:s10+$0xFFFFFFC0] =	vst v16;
	v4 =	vmul.f32 v11, v4  }
0x95: {  	p0 =	slt.u32 s2, $0xF8;
	v11 =	vld [tilespmem:s11+$0xFFFFFFE0];
	[tilespmem:s9+$0xFFFFFFD0] =	vst v17;
	v1 =	vmul.f32 v12, v1  }
0x96: {  	v12 =	vld [tilespmem:s11+$0xFFFFFFF0];
	[tilespmem:s10+$0xFFFFFFD0] =	vst v10;
	v0 =	vmul.f32 v13, v0  }
0x97: {  	v10 =	vld [tilespmem:s11+$0x0];
	[tilespmem:s9+$0xFFFFFFE0] =	vst v5;
	v2 =	vmul.f32 v15, v2  }
0x98: {  	v13 =	vld [tilespmem:s11+$0x10];
	[tilespmem:s10+$0xFFFFFFE0] =	vst v9  }
0x99: {  	v9 =	vld [tilespmem:s11+$0x20];
	[tilespmem:s9+$0xFFFFFFF0] =	vst v4  }
0x9a: {  	v15 =	vld [tilespmem:s11+$0xFFFFFFC0];
	[tilespmem:s10+$0xFFFFFFF0] =	vst v8  }
0x9b: {  	s8 =	sadd.s32 $0x80, s8;
	v8 =	vld.idx.msk [tilespmem:v19+s3+$0x0], $0xffff;
	[tilespmem:s9+$0x0] =	vst v1  }
0x9c: {  	v16 =	vld [tilespmem:s8+$0x0];
	[tilespmem:s10+$0x0] =	vst v6  }
0x9d: {  	v17 =	vld.idx.msk [tilespmem:v14+s3+$0x0], $0xffff;
	[tilespmem:s9+$0x10] =	vst v0  }
0x9e: {  	v5 =	vld.idx.msk [tilespmem:v11+s3+$0x0], $0xffff;
	[tilespmem:s10+$0x10] =	vst v3  }
0x9f: {  	v4 =	vld.idx.msk [tilespmem:v12+s3+$0x0], $0xffff;
	[tilespmem:s9+$0x20] =	vst v2  }
0xa0: {  	v1 =	vld.idx.msk [tilespmem:v10+s3+$0x0], $0xffff;
	[tilespmem:s10+$0x20] =	vst v7  }
0xa1: {  	v0 =	vld.idx.msk [tilespmem:v13+s3+$0x0], $0xffff;
	v3 =	vmul.f32 v16, v8  }
0xa2: {  	s9 =	sadd.s32 $0x80, s9;
	v6 =	vmul.f32 v8, v8;
	v7 =	vld.idx.msk [tilespmem:v15+s3+$0x0], $0xffff  }
0xa3: {  	s10 =	sadd.s32 $0x80, s10;
	v10 =	vmul.f32 v17, v17;
	v2 =	vld.idx.msk [tilespmem:v9+s3+$0x0], $0xffff;
	[tilespmem:s9+$0x30] =	vst v3  }
0xa4: {  	v9 =	vmul.f32 v5, v5;
	v13 =	vld [tilespmem:s8+$0xFFFFFF90];
	[tilespmem:s10+$0x30] =	vst v6  }
0xa5: {  	v8 =	vmul.f32 v4, v4;
	v15 =	vld [tilespmem:s8+$0xFFFFFFA0]  }
.Ltmp1:
0xa6: {  	v6 =	vmul.f32 v1, v1;
	v14 =	vld [tilespmem:s8+$0xFFFFFFB0];
	(pc) =	sbr.rel @p0 .LBB2_4-.Ltmp1, $4  }
0xa7: {  	v3 =	vmul.f32 v0, v0;
	v11 =	vld [tilespmem:s8+$0xFFFFFFC0]  }
0xa8: {  	v16 =	vmul.f32 v7, v7;
	v12 =	vld [tilespmem:s8+$0xFFFFFFD0]  }
0xa9: {  	v18 =	vmul.f32 v13, v7;
	v13 =	vld [tilespmem:s8+$0xFFFFFFE0];
	v7 =	vmul.f32 v2, v2  }
0xaa: {  	s11 =	sadd.s32 $0x80, s11;
	v17 =	vmul.f32 v15, v17;
	v15 =	vld [tilespmem:s8+$0xFFFFFFF0]  }
0xab: {  	[tilespmem:s9+$0xFFFFFFC0] =	vst v18  }
0xac: {  	[tilespmem:s10+$0xFFFFFFC0] =	vst v16  }
0xad: {  	v5 =	vmul.f32 v14, v5;
	[tilespmem:s9+$0xFFFFFFD0] =	vst v17  }
0xae: {  	[tilespmem:s10+$0xFFFFFFD0] =	vst v10  }
0xaf: {  	v4 =	vmul.f32 v11, v4;
	[tilespmem:s9+$0xFFFFFFE0] =	vst v5  }
0xb0: {  	[tilespmem:s10+$0xFFFFFFE0] =	vst v9  }
0xb1: {  	v1 =	vmul.f32 v12, v1;
	[tilespmem:s9+$0xFFFFFFF0] =	vst v4  }
0xb2: {  	[tilespmem:s10+$0xFFFFFFF0] =	vst v8  }
0xb3: {  	v0 =	vmul.f32 v13, v0;
	[tilespmem:s9+$0x0] =	vst v1  }
0xb4: {  	[tilespmem:s10+$0x0] =	vst v6  }
0xb5: {  	v1 =	vmul.f32 v15, v2;
	[tilespmem:s9+$0x10] =	vst v0  }
0xb6: {  	[tilespmem:s10+$0x10] =	vst v3  }
0xb7: {  	[tilespmem:s9+$0x20] =	vst v1  }
0xb8: {  	[tilespmem:s10+$0x20] =	vst v7  }
0xb9: {  	s2 =	rddreg [dreg:$0x9]  }
0xba: {  	[hbm4b:s2+s29] =	stream.strided.scatter [tilespmem:s5], [sflag:$0x2], $0x1000, s30, s29, $0x38;
	[tilespmem:$0x1F700] =	vst v63  }
0xbb: {  	_ =	swait.ge [sflag:s4], $0x1000  }
0xbc: {  	[sflag:s4] =	ssyncset.done $0x0  }
0xbd: {  	s10 =	rddreg [dreg:$0xa];
	[sflag:s4] =	ssyncadd.s32 $0xFFFFF000  }
0xbe: {  	[hbm4b:s10+s29] =	stream.strided.scatter [tilespmem:s6], [sflag:$0x2], $0x1000, s30, s29, $0x38;
	[tilespmem:$0x1F700] =	vst v63  }
0xbf: {  	_ =	swait.ge [sflag:s4], $0x1000  }
0xc0: {  	[sflag:s4] =	ssyncset.done $0x0  }
0xc1: {  	[sflag:s4] =	ssyncadd.s32 $0xFFFFF000  }
0xc2: {  	[tilespmem:s1], [sflag:$0x2] =	stream.linear.gather [hbm4b:s26+s3], $0x1000, $0x38;
	[tilespmem:$0x1F700] =	vst v63  }
0xc3: {  	_ =	swait.ge [sflag:s4], $0x1000  }
0xc4: {  	[sflag:s4] =	ssyncset.done $0x0  }
0xc5: {  	s11 =	simm.s32 $0x1C740;
	[sflag:s4] =	ssyncadd.s32 $0xFFFFF000  }
0xc6: {  	v0 =	vld [tilespmem:s11+$0x30]  }
0xc7: {  	v1 =	vld [tilespmem:s11+$0xFFFFFFD0]  }
0xc8: {  	v2 =	vld [tilespmem:s11+$0xFFFFFFE0]  }
0xc9: {  	v3 =	vld [tilespmem:s11+$0xFFFFFFF0]  }
0xca: {  	v6 =	vld [tilespmem:s11+$0x0]  }
0xcb: {  	v7 =	vld [tilespmem:s11+$0x10]  }
0xcc: {  	v8 =	vld [tilespmem:s11+$0x20]  }
0xcd: {  	s8 =	simm.s32 $0x1A770;
	v9 =	vld [tilespmem:s11+$0xFFFFFFC0]  }
0xce: {  	v11 =	vld [tilespmem:s8+$0x0]  }
0xcf: {  	v13 =	vld [tilespmem:s8+$0xFFFFFF90]  }
0xd0: {  	v17 =	vld [tilespmem:s8+$0xFFFFFFA0]  }
0xd1: {  	v10 =	vld.idx.msk [tilespmem:v0+s3+$0x0], $0xffff  }
0xd2: {  	v15 =	vld.idx.msk [tilespmem:v1+s3+$0x0], $0xffff  }
0xd3: {  	v5 =	vld.idx.msk [tilespmem:v2+s3+$0x0], $0xffff  }
0xd4: {  	v4 =	vld.idx.msk [tilespmem:v3+s3+$0x0], $0xffff  }
0xd5: {  	v1 =	vld.idx.msk [tilespmem:v6+s3+$0x0], $0xffff  }
0xd6: {  	v0 =	vld.idx.msk [tilespmem:v7+s3+$0x0], $0xffff  }
0xd7: {  	v7 =	vld.idx.msk [tilespmem:v9+s3+$0x0], $0xffff  }
0xd8: {  	v2 =	vld.idx.msk [tilespmem:v8+s3+$0x0], $0xffff;
	v16 =	vmul.f32 v11, v10  }
0xd9: {  	v14 =	vld [tilespmem:s8+$0xFFFFFFB0];
	v19 =	vmul.f32 v10, v10;
	v10 =	vmul.f32 v15, v15  }
0xda: {  	v9 =	vmul.f32 v5, v5;
	v8 =	vmul.f32 v4, v4;
	v11 =	vld [tilespmem:s8+$0xFFFFFFC0]  }
0xdb: {  	s9 =	simm.s32 $0x1D740;
	v12 =	vld [tilespmem:s8+$0xFFFFFFD0];
	v6 =	vmul.f32 v1, v1;
	v3 =	vmul.f32 v0, v0  }
0xdc: {  	s10 =	simm.s32 $0x1E740;
	v18 =	vmul.f32 v13, v7;
	v13 =	vld [tilespmem:s8+$0xFFFFFFE0];
	v17 =	vmul.f32 v17, v15;
	[tilespmem:s9+$0x30] =	vst v16  }
0xdd: {  	s2 =	simm.s32 $0x0;
	s11 =	simm.s32 $0x1C7C0;
	v15 =	vld [tilespmem:s8+$0xFFFFFFF0];
	v16 =	vmul.f32 v7, v7;
	v7 =	vmul.f32 v2, v2;
	[tilespmem:s10+$0x30] =	vst v19  }
.LBB2_6:
0xde: {  	v19 =	vld [tilespmem:s11+$0x30];
	[tilespmem:s9+$0xFFFFFFC0] =	vst v18;
	v5 =	vmul.f32 v14, v5  }
0xdf: {  	s2 =	sadd.s32 $0x8, s2;
	v14 =	vld [tilespmem:s11+$0xFFFFFFD0];
	[tilespmem:s10+$0xFFFFFFC0] =	vst v16;
	v4 =	vmul.f32 v11, v4  }
0xe0: {  	p0 =	slt.u32 s2, $0xF8;
	v11 =	vld [tilespmem:s11+$0xFFFFFFE0];
	[tilespmem:s9+$0xFFFFFFD0] =	vst v17;
	v1 =	vmul.f32 v12, v1  }
0xe1: {  	v12 =	vld [tilespmem:s11+$0xFFFFFFF0];
	[tilespmem:s10+$0xFFFFFFD0] =	vst v10;
	v0 =	vmul.f32 v13, v0  }
0xe2: {  	v10 =	vld [tilespmem:s11+$0x0];
	[tilespmem:s9+$0xFFFFFFE0] =	vst v5;
	v2 =	vmul.f32 v15, v2  }
0xe3: {  	v13 =	vld [tilespmem:s11+$0x10];
	[tilespmem:s10+$0xFFFFFFE0] =	vst v9  }
0xe4: {  	v9 =	vld [tilespmem:s11+$0x20];
	[tilespmem:s9+$0xFFFFFFF0] =	vst v4  }
0xe5: {  	v15 =	vld [tilespmem:s11+$0xFFFFFFC0];
	[tilespmem:s10+$0xFFFFFFF0] =	vst v8  }
0xe6: {  	s8 =	sadd.s32 $0x80, s8;
	v8 =	vld.idx.msk [tilespmem:v19+s3+$0x0], $0xffff;
	[tilespmem:s9+$0x0] =	vst v1  }
0xe7: {  	v16 =	vld [tilespmem:s8+$0x0];
	[tilespmem:s10+$0x0] =	vst v6  }
0xe8: {  	v17 =	vld.idx.msk [tilespmem:v14+s3+$0x0], $0xffff;
	[tilespmem:s9+$0x10] =	vst v0  }
0xe9: {  	v5 =	vld.idx.msk [tilespmem:v11+s3+$0x0], $0xffff;
	[tilespmem:s10+$0x10] =	vst v3  }
0xea: {  	v4 =	vld.idx.msk [tilespmem:v12+s3+$0x0], $0xffff;
	[tilespmem:s9+$0x20] =	vst v2  }
0xeb: {  	v1 =	vld.idx.msk [tilespmem:v10+s3+$0x0], $0xffff;
	[tilespmem:s10+$0x20] =	vst v7  }
0xec: {  	v0 =	vld.idx.msk [tilespmem:v13+s3+$0x0], $0xffff;
	v3 =	vmul.f32 v16, v8  }
0xed: {  	s9 =	sadd.s32 $0x80, s9;
	v6 =	vmul.f32 v8, v8;
	v7 =	vld.idx.msk [tilespmem:v15+s3+$0x0], $0xffff  }
0xee: {  	s10 =	sadd.s32 $0x80, s10;
	v10 =	vmul.f32 v17, v17;
	v2 =	vld.idx.msk [tilespmem:v9+s3+$0x0], $0xffff;
	[tilespmem:s9+$0x30] =	vst v3  }
0xef: {  	v9 =	vmul.f32 v5, v5;
	v13 =	vld [tilespmem:s8+$0xFFFFFF90];
	[tilespmem:s10+$0x30] =	vst v6  }
0xf0: {  	v8 =	vmul.f32 v4, v4;
	v15 =	vld [tilespmem:s8+$0xFFFFFFA0]  }
.Ltmp2:
0xf1: {  	v6 =	vmul.f32 v1, v1;
	v14 =	vld [tilespmem:s8+$0xFFFFFFB0];
	(pc) =	sbr.rel @p0 .LBB2_6-.Ltmp2, $4  }
0xf2: {  	v3 =	vmul.f32 v0, v0;
	v11 =	vld [tilespmem:s8+$0xFFFFFFC0]  }
0xf3: {  	v16 =	vmul.f32 v7, v7;
	v12 =	vld [tilespmem:s8+$0xFFFFFFD0]  }
0xf4: {  	v18 =	vmul.f32 v13, v7;
	v13 =	vld [tilespmem:s8+$0xFFFFFFE0];
	v7 =	vmul.f32 v2, v2  }
0xf5: {  	s11 =	sadd.s32 $0x80, s11;
	v17 =	vmul.f32 v15, v17;
	v15 =	vld [tilespmem:s8+$0xFFFFFFF0]  }
0xf6: {  	[tilespmem:s9+$0xFFFFFFC0] =	vst v18  }
0xf7: {  	[tilespmem:s10+$0xFFFFFFC0] =	vst v16  }
0xf8: {  	v5 =	vmul.f32 v14, v5;
	[tilespmem:s9+$0xFFFFFFD0] =	vst v17  }
0xf9: {  	[tilespmem:s10+$0xFFFFFFD0] =	vst v10  }
0xfa: {  	v4 =	vmul.f32 v11, v4;
	[tilespmem:s9+$0xFFFFFFE0] =	vst v5  }
0xfb: {  	[tilespmem:s10+$0xFFFFFFE0] =	vst v9  }
0xfc: {  	v1 =	vmul.f32 v12, v1;
	[tilespmem:s9+$0xFFFFFFF0] =	vst v4  }
0xfd: {  	[tilespmem:s10+$0xFFFFFFF0] =	vst v8  }
0xfe: {  	v0 =	vmul.f32 v13, v0;
	[tilespmem:s9+$0x0] =	vst v1  }
0xff: {  	[tilespmem:s10+$0x0] =	vst v6  }
0x100: {  	v1 =	vmul.f32 v15, v2;
	[tilespmem:s9+$0x10] =	vst v0  }
0x101: {  	[tilespmem:s10+$0x10] =	vst v3  }
0x102: {  	[tilespmem:s9+$0x20] =	vst v1  }
0x103: {  	[tilespmem:s10+$0x20] =	vst v7  }
0x104: {  	s2 =	rddreg [dreg:$0xb]  }
0x105: {  	[hbm4b:s2+s29] =	stream.strided.scatter [tilespmem:s5], [sflag:$0x2], $0x1000, s30, s29, $0x38;
	[tilespmem:$0x1F700] =	vst v63  }
0x106: {  	_ =	swait.ge [sflag:s4], $0x1000  }
0x107: {  	[sflag:s4] =	ssyncset.done $0x0  }
0x108: {  	s10 =	rddreg [dreg:$0xd];
	[sflag:s4] =	ssyncadd.s32 $0xFFFFF000  }
0x109: {  	[hbm4b:s10+s29] =	stream.strided.scatter [tilespmem:s6], [sflag:$0x2], $0x1000, s30, s29, $0x38;
	[tilespmem:$0x1F700] =	vst v63  }
0x10a: {  	_ =	swait.ge [sflag:s4], $0x1000  }
0x10b: {  	[sflag:s4] =	ssyncset.done $0x0  }
0x10c: {  	[sflag:s4] =	ssyncadd.s32 $0xFFFFF000  }
0x10d: {  	[tilespmem:s1], [sflag:$0x2] =	stream.linear.gather [hbm4b:s28+s3], $0x1000, $0x38;
	[tilespmem:$0x1F700] =	vst v63  }
0x10e: {  	_ =	swait.ge [sflag:s4], $0x1000  }
0x10f: {  	[sflag:s4] =	ssyncset.done $0x0  }
0x110: {  	s11 =	simm.s32 $0x1C740;
	[sflag:s4] =	ssyncadd.s32 $0xFFFFF000  }
0x111: {  	v0 =	vld [tilespmem:s11+$0x30]  }
0x112: {  	v1 =	vld [tilespmem:s11+$0xFFFFFFD0]  }
0x113: {  	v2 =	vld [tilespmem:s11+$0xFFFFFFE0]  }
0x114: {  	v3 =	vld [tilespmem:s11+$0xFFFFFFF0]  }
0x115: {  	v6 =	vld [tilespmem:s11+$0x0]  }
0x116: {  	v7 =	vld [tilespmem:s11+$0x10]  }
0x117: {  	v8 =	vld [tilespmem:s11+$0x20]  }
0x118: {  	s8 =	simm.s32 $0x1B770;
	v9 =	vld [tilespmem:s11+$0xFFFFFFC0]  }
0x119: {  	v11 =	vld [tilespmem:s8+$0x0]  }
0x11a: {  	v13 =	vld [tilespmem:s8+$0xFFFFFF90]  }
0x11b: {  	v17 =	vld [tilespmem:s8+$0xFFFFFFA0]  }
0x11c: {  	v10 =	vld.idx.msk [tilespmem:v0+s3+$0x0], $0xffff  }
0x11d: {  	v15 =	vld.idx.msk [tilespmem:v1+s3+$0x0], $0xffff  }
0x11e: {  	v5 =	vld.idx.msk [tilespmem:v2+s3+$0x0], $0xffff  }
0x11f: {  	v4 =	vld.idx.msk [tilespmem:v3+s3+$0x0], $0xffff  }
0x120: {  	v1 =	vld.idx.msk [tilespmem:v6+s3+$0x0], $0xffff  }
0x121: {  	v0 =	vld.idx.msk [tilespmem:v7+s3+$0x0], $0xffff  }
0x122: {  	v7 =	vld.idx.msk [tilespmem:v9+s3+$0x0], $0xffff  }
0x123: {  	v2 =	vld.idx.msk [tilespmem:v8+s3+$0x0], $0xffff;
	v16 =	vmul.f32 v11, v10  }
0x124: {  	v14 =	vld [tilespmem:s8+$0xFFFFFFB0];
	v19 =	vmul.f32 v10, v10;
	v10 =	vmul.f32 v15, v15  }
0x125: {  	v9 =	vmul.f32 v5, v5;
	v8 =	vmul.f32 v4, v4;
	v11 =	vld [tilespmem:s8+$0xFFFFFFC0]  }
0x126: {  	s9 =	simm.s32 $0x1D740;
	v12 =	vld [tilespmem:s8+$0xFFFFFFD0];
	v6 =	vmul.f32 v1, v1;
	v3 =	vmul.f32 v0, v0  }
0x127: {  	s10 =	simm.s32 $0x1E740;
	v18 =	vmul.f32 v13, v7;
	v13 =	vld [tilespmem:s8+$0xFFFFFFE0];
	v17 =	vmul.f32 v17, v15;
	[tilespmem:s9+$0x30] =	vst v16  }
0x128: {  	s2 =	simm.s32 $0x0;
	s11 =	simm.s32 $0x1C7C0;
	v15 =	vld [tilespmem:s8+$0xFFFFFFF0];
	v16 =	vmul.f32 v7, v7;
	v7 =	vmul.f32 v2, v2;
	[tilespmem:s10+$0x30] =	vst v19  }
.LBB2_8:
0x129: {  	v19 =	vld [tilespmem:s11+$0x30];
	[tilespmem:s9+$0xFFFFFFC0] =	vst v18;
	v5 =	vmul.f32 v14, v5  }
0x12a: {  	s2 =	sadd.s32 $0x8, s2;
	v14 =	vld [tilespmem:s11+$0xFFFFFFD0];
	[tilespmem:s10+$0xFFFFFFC0] =	vst v16;
	v4 =	vmul.f32 v11, v4  }
0x12b: {  	p0 =	slt.u32 s2, $0xF8;
	v11 =	vld [tilespmem:s11+$0xFFFFFFE0];
	[tilespmem:s9+$0xFFFFFFD0] =	vst v17;
	v1 =	vmul.f32 v12, v1  }
0x12c: {  	v12 =	vld [tilespmem:s11+$0xFFFFFFF0];
	[tilespmem:s10+$0xFFFFFFD0] =	vst v10;
	v0 =	vmul.f32 v13, v0  }
0x12d: {  	v10 =	vld [tilespmem:s11+$0x0];
	[tilespmem:s9+$0xFFFFFFE0] =	vst v5;
	v2 =	vmul.f32 v15, v2  }
0x12e: {  	v13 =	vld [tilespmem:s11+$0x10];
	[tilespmem:s10+$0xFFFFFFE0] =	vst v9  }
0x12f: {  	v9 =	vld [tilespmem:s11+$0x20];
	[tilespmem:s9+$0xFFFFFFF0] =	vst v4  }
0x130: {  	v15 =	vld [tilespmem:s11+$0xFFFFFFC0];
	[tilespmem:s10+$0xFFFFFFF0] =	vst v8  }
0x131: {  	s8 =	sadd.s32 $0x80, s8;
	v8 =	vld.idx.msk [tilespmem:v19+s3+$0x0], $0xffff;
	[tilespmem:s9+$0x0] =	vst v1  }
0x132: {  	v16 =	vld [tilespmem:s8+$0x0];
	[tilespmem:s10+$0x0] =	vst v6  }
0x133: {  	v17 =	vld.idx.msk [tilespmem:v14+s3+$0x0], $0xffff;
	[tilespmem:s9+$0x10] =	vst v0  }
0x134: {  	v5 =	vld.idx.msk [tilespmem:v11+s3+$0x0], $0xffff;
	[tilespmem:s10+$0x10] =	vst v3  }
0x135: {  	v4 =	vld.idx.msk [tilespmem:v12+s3+$0x0], $0xffff;
	[tilespmem:s9+$0x20] =	vst v2  }
0x136: {  	v1 =	vld.idx.msk [tilespmem:v10+s3+$0x0], $0xffff;
	[tilespmem:s10+$0x20] =	vst v7  }
0x137: {  	v0 =	vld.idx.msk [tilespmem:v13+s3+$0x0], $0xffff;
	v3 =	vmul.f32 v16, v8  }
0x138: {  	s9 =	sadd.s32 $0x80, s9;
	v6 =	vmul.f32 v8, v8;
	v7 =	vld.idx.msk [tilespmem:v15+s3+$0x0], $0xffff  }
0x139: {  	s10 =	sadd.s32 $0x80, s10;
	v10 =	vmul.f32 v17, v17;
	v2 =	vld.idx.msk [tilespmem:v9+s3+$0x0], $0xffff;
	[tilespmem:s9+$0x30] =	vst v3  }
0x13a: {  	v9 =	vmul.f32 v5, v5;
	v13 =	vld [tilespmem:s8+$0xFFFFFF90];
	[tilespmem:s10+$0x30] =	vst v6  }
0x13b: {  	v8 =	vmul.f32 v4, v4;
	v15 =	vld [tilespmem:s8+$0xFFFFFFA0]  }
.Ltmp3:
0x13c: {  	v6 =	vmul.f32 v1, v1;
	v14 =	vld [tilespmem:s8+$0xFFFFFFB0];
	(pc) =	sbr.rel @p0 .LBB2_8-.Ltmp3, $4  }
0x13d: {  	v3 =	vmul.f32 v0, v0;
	v11 =	vld [tilespmem:s8+$0xFFFFFFC0]  }
0x13e: {  	v16 =	vmul.f32 v7, v7;
	v12 =	vld [tilespmem:s8+$0xFFFFFFD0]  }
0x13f: {  	v18 =	vmul.f32 v13, v7;
	v13 =	vld [tilespmem:s8+$0xFFFFFFE0];
	v7 =	vmul.f32 v2, v2  }
0x140: {  	s11 =	sadd.s32 $0x80, s11;
	v17 =	vmul.f32 v15, v17;
	v15 =	vld [tilespmem:s8+$0xFFFFFFF0]  }
0x141: {  	[tilespmem:s9+$0xFFFFFFC0] =	vst v18  }
0x142: {  	[tilespmem:s10+$0xFFFFFFC0] =	vst v16  }
0x143: {  	v5 =	vmul.f32 v14, v5;
	[tilespmem:s9+$0xFFFFFFD0] =	vst v17  }
0x144: {  	[tilespmem:s10+$0xFFFFFFD0] =	vst v10  }
0x145: {  	v4 =	vmul.f32 v11, v4;
	[tilespmem:s9+$0xFFFFFFE0] =	vst v5  }
0x146: {  	[tilespmem:s10+$0xFFFFFFE0] =	vst v9  }
0x147: {  	v1 =	vmul.f32 v12, v1;
	[tilespmem:s9+$0xFFFFFFF0] =	vst v4  }
0x148: {  	[tilespmem:s10+$0xFFFFFFF0] =	vst v8  }
0x149: {  	v0 =	vmul.f32 v13, v0;
	[tilespmem:s9+$0x0] =	vst v1  }
0x14a: {  	[tilespmem:s10+$0x0] =	vst v6  }
0x14b: {  	v1 =	vmul.f32 v15, v2;
	[tilespmem:s9+$0x10] =	vst v0  }
0x14c: {  	[tilespmem:s10+$0x10] =	vst v3  }
0x14d: {  	[tilespmem:s9+$0x20] =	vst v1  }
0x14e: {  	[tilespmem:s10+$0x20] =	vst v7  }
0x14f: {  	[hbm4b:s14+s29] =	stream.strided.scatter [tilespmem:s5], [sflag:$0x2], $0x1000, s30, s29, $0x38;
	[tilespmem:$0x1F700] =	vst v63  }
0x150: {  	_ =	swait.ge [sflag:s4], $0x1000  }
0x151: {  	[sflag:s4] =	ssyncset.done $0x0  }
0x152: {  	[sflag:s4] =	ssyncadd.s32 $0xFFFFF000  }
0x153: {  	[hbm4b:s15+s29] =	stream.strided.scatter [tilespmem:s6], [sflag:$0x2], $0x1000, s30, s29, $0x38;
	[tilespmem:$0x1F700] =	vst v63  }
0x154: {  	_ =	swait.ge [sflag:s4], $0x1000  }
0x155: {  	[sflag:s4] =	ssyncset.done $0x0  }
0x156: {  	s2 =	rddreg [dreg:$0xc];
	[sflag:s4] =	ssyncadd.s32 $0xFFFFF000  }
0x157: {  	[tilespmem:s3], [sflag:$0x1] =	stream.strided.gather [hbm4b:s2+s29], $0x18700, s30, s29, $0x38;
	[tilespmem:$0x1F700] =	vst v63  }
0x158: {  	_ = 	snop  }
0x159: {  	[tilespmem:s31], [sflag:$0x1] =	stream.strided.gather [hbm4b:s13+s29], $0x4000, s30, s29, $0x38;
	[tilespmem:$0x1F700] =	vst v63  }
0x15a: {  	_ =	swait.ge [sflag:s0], $0x18700  }
0x15b: {  	[sflag:s0] =	ssyncset.done $0x0  }
0x15c: {  	[sflag:s0] =	ssyncadd.s32 $0xFFFE7900  }
0x15d: {  	_ =	swait.ge [sflag:s0], $0x4000  }
0x15e: {  	[sflag:s0] =	ssyncset.done $0x0  }
0x15f: {  	[sflag:s0] =	ssyncadd.s32 $0xFFFFC000  }
0x160: {  	[tilespmem:s1], [sflag:$0x2] =	stream.linear.gather [hbm4b:s12+s3], $0x1000, $0x38;
	[tilespmem:$0x1F700] =	vst v63  }
0x161: {  	_ =	swait.ge [sflag:s4], $0x1000  }
0x162: {  	[sflag:s4] =	ssyncset.done $0x0  }
0x163: {  	s11 =	simm.s32 $0x1C740;
	[sflag:s4] =	ssyncadd.s32 $0xFFFFF000  }
0x164: {  	v0 =	vld [tilespmem:s11+$0x30]  }
0x165: {  	v1 =	vld [tilespmem:s11+$0xFFFFFFD0]  }
0x166: {  	v2 =	vld [tilespmem:s11+$0xFFFFFFE0]  }
0x167: {  	v3 =	vld [tilespmem:s11+$0xFFFFFFF0]  }
0x168: {  	v6 =	vld [tilespmem:s11+$0x0]  }
0x169: {  	v7 =	vld [tilespmem:s11+$0x10]  }
0x16a: {  	v8 =	vld [tilespmem:s11+$0x20]  }
0x16b: {  	s8 =	simm.s32 $0x18740;
	v9 =	vld [tilespmem:s11+$0xFFFFFFC0]  }
0x16c: {  	v11 =	vld [tilespmem:s8+$0x30]  }
0x16d: {  	v13 =	vld [tilespmem:s8+$0xFFFFFFC0]  }
0x16e: {  	v17 =	vld [tilespmem:s8+$0xFFFFFFD0]  }
0x16f: {  	v10 =	vld.idx.msk [tilespmem:v0+s3+$0x0], $0xffff  }
0x170: {  	v15 =	vld.idx.msk [tilespmem:v1+s3+$0x0], $0xffff  }
0x171: {  	v5 =	vld.idx.msk [tilespmem:v2+s3+$0x0], $0xffff  }
0x172: {  	v4 =	vld.idx.msk [tilespmem:v3+s3+$0x0], $0xffff  }
0x173: {  	v1 =	vld.idx.msk [tilespmem:v6+s3+$0x0], $0xffff  }
0x174: {  	v0 =	vld.idx.msk [tilespmem:v7+s3+$0x0], $0xffff  }
0x175: {  	v7 =	vld.idx.msk [tilespmem:v9+s3+$0x0], $0xffff  }
0x176: {  	v2 =	vld.idx.msk [tilespmem:v8+s3+$0x0], $0xffff;
	v16 =	vmul.f32 v11, v10  }
0x177: {  	v14 =	vld [tilespmem:s8+$0xFFFFFFE0];
	v19 =	vmul.f32 v10, v10;
	v10 =	vmul.f32 v15, v15  }
0x178: {  	v9 =	vmul.f32 v5, v5;
	v8 =	vmul.f32 v4, v4;
	v11 =	vld [tilespmem:s8+$0xFFFFFFF0]  }
0x179: {  	s9 =	simm.s32 $0x1D740;
	v12 =	vld [tilespmem:s8+$0x0];
	v6 =	vmul.f32 v1, v1;
	v3 =	vmul.f32 v0, v0  }
0x17a: {  	s10 =	simm.s32 $0x1E740;
	v18 =	vmul.f32 v13, v7;
	v13 =	vld [tilespmem:s8+$0x10];
	v17 =	vmul.f32 v17, v15;
	[tilespmem:s9+$0x30] =	vst v16  }
0x17b: {  	s2 =	simm.s32 $0x0;
	s11 =	simm.s32 $0x1C7C0;
	v15 =	vld [tilespmem:s8+$0x20];
	v16 =	vmul.f32 v7, v7;
	v7 =	vmul.f32 v2, v2;
	[tilespmem:s10+$0x30] =	vst v19  }
.LBB2_10:
0x17c: {  	v19 =	vld [tilespmem:s11+$0x30];
	[tilespmem:s9+$0xFFFFFFC0] =	vst v18;
	v5 =	vmul.f32 v14, v5  }
0x17d: {  	s2 =	sadd.s32 $0x8, s2;
	v14 =	vld [tilespmem:s11+$0xFFFFFFD0];
	[tilespmem:s10+$0xFFFFFFC0] =	vst v16;
	v4 =	vmul.f32 v11, v4  }
0x17e: {  	p0 =	slt.u32 s2, $0xF8;
	v11 =	vld [tilespmem:s11+$0xFFFFFFE0];
	[tilespmem:s9+$0xFFFFFFD0] =	vst v17;
	v1 =	vmul.f32 v12, v1  }
0x17f: {  	v12 =	vld [tilespmem:s11+$0xFFFFFFF0];
	[tilespmem:s10+$0xFFFFFFD0] =	vst v10;
	v0 =	vmul.f32 v13, v0  }
0x180: {  	v10 =	vld [tilespmem:s11+$0x0];
	[tilespmem:s9+$0xFFFFFFE0] =	vst v5;
	v2 =	vmul.f32 v15, v2  }
0x181: {  	v13 =	vld [tilespmem:s11+$0x10];
	[tilespmem:s10+$0xFFFFFFE0] =	vst v9  }
0x182: {  	v9 =	vld [tilespmem:s11+$0x20];
	[tilespmem:s9+$0xFFFFFFF0] =	vst v4  }
0x183: {  	v15 =	vld [tilespmem:s11+$0xFFFFFFC0];
	[tilespmem:s10+$0xFFFFFFF0] =	vst v8  }
0x184: {  	s8 =	sadd.s32 $0x80, s8;
	v8 =	vld.idx.msk [tilespmem:v19+s3+$0x0], $0xffff;
	[tilespmem:s9+$0x0] =	vst v1  }
0x185: {  	v16 =	vld [tilespmem:s8+$0x30];
	[tilespmem:s10+$0x0] =	vst v6  }
0x186: {  	v17 =	vld.idx.msk [tilespmem:v14+s3+$0x0], $0xffff;
	[tilespmem:s9+$0x10] =	vst v0  }
0x187: {  	v5 =	vld.idx.msk [tilespmem:v11+s3+$0x0], $0xffff;
	[tilespmem:s10+$0x10] =	vst v3  }
0x188: {  	v4 =	vld.idx.msk [tilespmem:v12+s3+$0x0], $0xffff;
	[tilespmem:s9+$0x20] =	vst v2  }
0x189: {  	v1 =	vld.idx.msk [tilespmem:v10+s3+$0x0], $0xffff;
	[tilespmem:s10+$0x20] =	vst v7  }
0x18a: {  	v0 =	vld.idx.msk [tilespmem:v13+s3+$0x0], $0xffff;
	v3 =	vmul.f32 v16, v8  }
0x18b: {  	s9 =	sadd.s32 $0x80, s9;
	v6 =	vmul.f32 v8, v8;
	v7 =	vld.idx.msk [tilespmem:v15+s3+$0x0], $0xffff  }
0x18c: {  	s10 =	sadd.s32 $0x80, s10;
	v10 =	vmul.f32 v17, v17;
	v2 =	vld.idx.msk [tilespmem:v9+s3+$0x0], $0xffff;
	[tilespmem:s9+$0x30] =	vst v3  }
0x18d: {  	v9 =	vmul.f32 v5, v5;
	v13 =	vld [tilespmem:s8+$0xFFFFFFC0];
	[tilespmem:s10+$0x30] =	vst v6  }
0x18e: {  	v8 =	vmul.f32 v4, v4;
	v15 =	vld [tilespmem:s8+$0xFFFFFFD0]  }
.Ltmp4:
0x18f: {  	v6 =	vmul.f32 v1, v1;
	v14 =	vld [tilespmem:s8+$0xFFFFFFE0];
	(pc) =	sbr.rel @p0 .LBB2_10-.Ltmp4, $4  }
0x190: {  	v3 =	vmul.f32 v0, v0;
	v11 =	vld [tilespmem:s8+$0xFFFFFFF0]  }
0x191: {  	v16 =	vmul.f32 v7, v7;
	v12 =	vld [tilespmem:s8+$0x0]  }
0x192: {  	v18 =	vmul.f32 v13, v7;
	v13 =	vld [tilespmem:s8+$0x10];
	v7 =	vmul.f32 v2, v2  }
0x193: {  	s11 =	sadd.s32 $0x80, s11;
	v17 =	vmul.f32 v15, v17;
	v15 =	vld [tilespmem:s8+$0x20]  }
0x194: {  	[tilespmem:s9+$0xFFFFFFC0] =	vst v18  }
0x195: {  	[tilespmem:s10+$0xFFFFFFC0] =	vst v16  }
0x196: {  	v5 =	vmul.f32 v14, v5;
	[tilespmem:s9+$0xFFFFFFD0] =	vst v17  }
0x197: {  	[tilespmem:s10+$0xFFFFFFD0] =	vst v10  }
0x198: {  	v4 =	vmul.f32 v11, v4;
	[tilespmem:s9+$0xFFFFFFE0] =	vst v5  }
0x199: {  	[tilespmem:s10+$0xFFFFFFE0] =	vst v9  }
0x19a: {  	v1 =	vmul.f32 v12, v1;
	[tilespmem:s9+$0xFFFFFFF0] =	vst v4  }
0x19b: {  	[tilespmem:s10+$0xFFFFFFF0] =	vst v8  }
0x19c: {  	v0 =	vmul.f32 v13, v0;
	[tilespmem:s9+$0x0] =	vst v1  }
0x19d: {  	[tilespmem:s10+$0x0] =	vst v6  }
0x19e: {  	v1 =	vmul.f32 v15, v2;
	[tilespmem:s9+$0x10] =	vst v0  }
0x19f: {  	[tilespmem:s10+$0x10] =	vst v3  }
0x1a0: {  	[tilespmem:s9+$0x20] =	vst v1  }
0x1a1: {  	[tilespmem:s10+$0x20] =	vst v7  }
0x1a2: {  	[hbm4b:s16+s29] =	stream.strided.scatter [tilespmem:s5], [sflag:$0x2], $0x1000, s30, s29, $0x38;
	[tilespmem:$0x1F700] =	vst v63  }
0x1a3: {  	_ =	swait.ge [sflag:s4], $0x1000  }
0x1a4: {  	[sflag:s4] =	ssyncset.done $0x0  }
0x1a5: {  	[sflag:s4] =	ssyncadd.s32 $0xFFFFF000  }
0x1a6: {  	[hbm4b:s17+s29] =	stream.strided.scatter [tilespmem:s6], [sflag:$0x2], $0x1000, s30, s29, $0x38;
	[tilespmem:$0x1F700] =	vst v63  }
0x1a7: {  	_ =	swait.ge [sflag:s4], $0x1000  }
0x1a8: {  	[sflag:s4] =	ssyncset.done $0x0  }
0x1a9: {  	[sflag:s4] =	ssyncadd.s32 $0xFFFFF000  }
0x1aa: {  	[tilespmem:s1], [sflag:$0x2] =	stream.linear.gather [hbm4b:s24+s3], $0x1000, $0x38;
	[tilespmem:$0x1F700] =	vst v63  }
0x1ab: {  	_ =	swait.ge [sflag:s4], $0x1000  }
0x1ac: {  	[sflag:s4] =	ssyncset.done $0x0  }
0x1ad: {  	s2 =	simm.s32 $0x1C740;
	[sflag:s4] =	ssyncadd.s32 $0xFFFFF000  }
0x1ae: {  	v0 =	vld [tilespmem:s2+$0x30]  }
0x1af: {  	v1 =	vld [tilespmem:s2+$0xFFFFFFD0]  }
0x1b0: {  	v2 =	vld [tilespmem:s2+$0xFFFFFFE0]  }
0x1b1: {  	v3 =	vld [tilespmem:s2+$0xFFFFFFF0]  }
0x1b2: {  	v6 =	vld [tilespmem:s2+$0x0]  }
0x1b3: {  	v7 =	vld [tilespmem:s2+$0x10]  }
0x1b4: {  	v8 =	vld [tilespmem:s2+$0x20]  }
0x1b5: {  	s8 =	simm.s32 $0x19770;
	v9 =	vld [tilespmem:s2+$0xFFFFFFC0]  }
0x1b6: {  	v11 =	vld [tilespmem:s8+$0x0]  }
0x1b7: {  	v13 =	vld [tilespmem:s8+$0xFFFFFF90]  }
0x1b8: {  	v17 =	vld [tilespmem:s8+$0xFFFFFFA0]  }
0x1b9: {  	v10 =	vld.idx.msk [tilespmem:v0+s3+$0x0], $0xffff  }
0x1ba: {  	v15 =	vld.idx.msk [tilespmem:v1+s3+$0x0], $0xffff  }
0x1bb: {  	v5 =	vld.idx.msk [tilespmem:v2+s3+$0x0], $0xffff  }
0x1bc: {  	v4 =	vld.idx.msk [tilespmem:v3+s3+$0x0], $0xffff  }
0x1bd: {  	v1 =	vld.idx.msk [tilespmem:v6+s3+$0x0], $0xffff  }
0x1be: {  	v0 =	vld.idx.msk [tilespmem:v7+s3+$0x0], $0xffff  }
0x1bf: {  	v7 =	vld.idx.msk [tilespmem:v9+s3+$0x0], $0xffff  }
0x1c0: {  	v2 =	vld.idx.msk [tilespmem:v8+s3+$0x0], $0xffff;
	v16 =	vmul.f32 v11, v10  }
0x1c1: {  	v14 =	vld [tilespmem:s8+$0xFFFFFFB0];
	v19 =	vmul.f32 v10, v10;
	v10 =	vmul.f32 v15, v15  }
0x1c2: {  	v9 =	vmul.f32 v5, v5;
	v8 =	vmul.f32 v4, v4;
	v11 =	vld [tilespmem:s8+$0xFFFFFFC0]  }
0x1c3: {  	s9 =	simm.s32 $0x1D740;
	v12 =	vld [tilespmem:s8+$0xFFFFFFD0];
	v6 =	vmul.f32 v1, v1;
	v3 =	vmul.f32 v0, v0  }
0x1c4: {  	s10 =	simm.s32 $0x1E740;
	v18 =	vmul.f32 v13, v7;
	v13 =	vld [tilespmem:s8+$0xFFFFFFE0];
	v17 =	vmul.f32 v17, v15;
	[tilespmem:s9+$0x30] =	vst v16  }
0x1c5: {  	s11 =	simm.s32 $0x1C7C0;
	s2 =	simm.s32 $0x0;
	v15 =	vld [tilespmem:s8+$0xFFFFFFF0];
	v16 =	vmul.f32 v7, v7;
	v7 =	vmul.f32 v2, v2;
	[tilespmem:s10+$0x30] =	vst v19  }
.LBB2_12:
0x1c6: {  	v19 =	vld [tilespmem:s11+$0x30];
	[tilespmem:s9+$0xFFFFFFC0] =	vst v18;
	v5 =	vmul.f32 v14, v5  }
0x1c7: {  	s2 =	sadd.s32 $0x8, s2;
	v14 =	vld [tilespmem:s11+$0xFFFFFFD0];
	[tilespmem:s10+$0xFFFFFFC0] =	vst v16;
	v4 =	vmul.f32 v11, v4  }
0x1c8: {  	p0 =	slt.u32 s2, $0xF8;
	v11 =	vld [tilespmem:s11+$0xFFFFFFE0];
	[tilespmem:s9+$0xFFFFFFD0] =	vst v17;
	v1 =	vmul.f32 v12, v1  }
0x1c9: {  	v12 =	vld [tilespmem:s11+$0xFFFFFFF0];
	[tilespmem:s10+$0xFFFFFFD0] =	vst v10;
	v0 =	vmul.f32 v13, v0  }
0x1ca: {  	v10 =	vld [tilespmem:s11+$0x0];
	[tilespmem:s9+$0xFFFFFFE0] =	vst v5;
	v2 =	vmul.f32 v15, v2  }
0x1cb: {  	v13 =	vld [tilespmem:s11+$0x10];
	[tilespmem:s10+$0xFFFFFFE0] =	vst v9  }
0x1cc: {  	v9 =	vld [tilespmem:s11+$0x20];
	[tilespmem:s9+$0xFFFFFFF0] =	vst v4  }
0x1cd: {  	v15 =	vld [tilespmem:s11+$0xFFFFFFC0];
	[tilespmem:s10+$0xFFFFFFF0] =	vst v8  }
0x1ce: {  	s8 =	sadd.s32 $0x80, s8;
	v8 =	vld.idx.msk [tilespmem:v19+s3+$0x0], $0xffff;
	[tilespmem:s9+$0x0] =	vst v1  }
0x1cf: {  	v16 =	vld [tilespmem:s8+$0x0];
	[tilespmem:s10+$0x0] =	vst v6  }
0x1d0: {  	v17 =	vld.idx.msk [tilespmem:v14+s3+$0x0], $0xffff;
	[tilespmem:s9+$0x10] =	vst v0  }
0x1d1: {  	v5 =	vld.idx.msk [tilespmem:v11+s3+$0x0], $0xffff;
	[tilespmem:s10+$0x10] =	vst v3  }
0x1d2: {  	v4 =	vld.idx.msk [tilespmem:v12+s3+$0x0], $0xffff;
	[tilespmem:s9+$0x20] =	vst v2  }
0x1d3: {  	v1 =	vld.idx.msk [tilespmem:v10+s3+$0x0], $0xffff;
	[tilespmem:s10+$0x20] =	vst v7  }
0x1d4: {  	v0 =	vld.idx.msk [tilespmem:v13+s3+$0x0], $0xffff;
	v3 =	vmul.f32 v16, v8  }
0x1d5: {  	s9 =	sadd.s32 $0x80, s9;
	v6 =	vmul.f32 v8, v8;
	v7 =	vld.idx.msk [tilespmem:v15+s3+$0x0], $0xffff  }
0x1d6: {  	s10 =	sadd.s32 $0x80, s10;
	v10 =	vmul.f32 v17, v17;
	v2 =	vld.idx.msk [tilespmem:v9+s3+$0x0], $0xffff;
	[tilespmem:s9+$0x30] =	vst v3  }
0x1d7: {  	v9 =	vmul.f32 v5, v5;
	v13 =	vld [tilespmem:s8+$0xFFFFFF90];
	[tilespmem:s10+$0x30] =	vst v6  }
0x1d8: {  	v8 =	vmul.f32 v4, v4;
	v15 =	vld [tilespmem:s8+$0xFFFFFFA0]  }
.Ltmp5:
0x1d9: {  	v6 =	vmul.f32 v1, v1;
	v14 =	vld [tilespmem:s8+$0xFFFFFFB0];
	(pc) =	sbr.rel @p0 .LBB2_12-.Ltmp5, $4  }
0x1da: {  	v3 =	vmul.f32 v0, v0;
	v11 =	vld [tilespmem:s8+$0xFFFFFFC0]  }
0x1db: {  	v16 =	vmul.f32 v7, v7;
	v12 =	vld [tilespmem:s8+$0xFFFFFFD0]  }
0x1dc: {  	v18 =	vmul.f32 v13, v7;
	v13 =	vld [tilespmem:s8+$0xFFFFFFE0];
	v7 =	vmul.f32 v2, v2  }
0x1dd: {  	s11 =	sadd.s32 $0x80, s11;
	v17 =	vmul.f32 v15, v17;
	v15 =	vld [tilespmem:s8+$0xFFFFFFF0]  }
0x1de: {  	[tilespmem:s9+$0xFFFFFFC0] =	vst v18  }
0x1df: {  	[tilespmem:s10+$0xFFFFFFC0] =	vst v16  }
0x1e0: {  	v5 =	vmul.f32 v14, v5;
	[tilespmem:s9+$0xFFFFFFD0] =	vst v17  }
0x1e1: {  	[tilespmem:s10+$0xFFFFFFD0] =	vst v10  }
0x1e2: {  	v4 =	vmul.f32 v11, v4;
	[tilespmem:s9+$0xFFFFFFE0] =	vst v5  }
0x1e3: {  	[tilespmem:s10+$0xFFFFFFE0] =	vst v9  }
0x1e4: {  	v1 =	vmul.f32 v12, v1;
	[tilespmem:s9+$0xFFFFFFF0] =	vst v4  }
0x1e5: {  	[tilespmem:s10+$0xFFFFFFF0] =	vst v8  }
0x1e6: {  	v0 =	vmul.f32 v13, v0;
	[tilespmem:s9+$0x0] =	vst v1  }
0x1e7: {  	[tilespmem:s10+$0x0] =	vst v6  }
0x1e8: {  	v1 =	vmul.f32 v15, v2;
	[tilespmem:s9+$0x10] =	vst v0  }
0x1e9: {  	[tilespmem:s10+$0x10] =	vst v3  }
0x1ea: {  	[tilespmem:s9+$0x20] =	vst v1  }
0x1eb: {  	[tilespmem:s10+$0x20] =	vst v7  }
0x1ec: {  	[hbm4b:s18+s29] =	stream.strided.scatter [tilespmem:s5], [sflag:$0x2], $0x1000, s30, s29, $0x38;
	[tilespmem:$0x1F700] =	vst v63  }
0x1ed: {  	_ =	swait.ge [sflag:s4], $0x1000  }
0x1ee: {  	[sflag:s4] =	ssyncset.done $0x0  }
0x1ef: {  	[sflag:s4] =	ssyncadd.s32 $0xFFFFF000  }
0x1f0: {  	[hbm4b:s19+s29] =	stream.strided.scatter [tilespmem:s6], [sflag:$0x2], $0x1000, s30, s29, $0x38;
	[tilespmem:$0x1F700] =	vst v63  }
0x1f1: {  	_ =	swait.ge [sflag:s4], $0x1000  }
0x1f2: {  	[sflag:s4] =	ssyncset.done $0x0  }
0x1f3: {  	[sflag:s4] =	ssyncadd.s32 $0xFFFFF000  }
0x1f4: {  	[tilespmem:s1], [sflag:$0x2] =	stream.linear.gather [hbm4b:s26+s3], $0x1000, $0x38;
	[tilespmem:$0x1F700] =	vst v63  }
0x1f5: {  	_ =	swait.ge [sflag:s4], $0x1000  }
0x1f6: {  	[sflag:s4] =	ssyncset.done $0x0  }
0x1f7: {  	s2 =	simm.s32 $0x1C740;
	[sflag:s4] =	ssyncadd.s32 $0xFFFFF000  }
0x1f8: {  	v0 =	vld [tilespmem:s2+$0x30]  }
0x1f9: {  	v1 =	vld [tilespmem:s2+$0xFFFFFFD0]  }
0x1fa: {  	v2 =	vld [tilespmem:s2+$0xFFFFFFE0]  }
0x1fb: {  	v3 =	vld [tilespmem:s2+$0xFFFFFFF0]  }
0x1fc: {  	v6 =	vld [tilespmem:s2+$0x0]  }
0x1fd: {  	v7 =	vld [tilespmem:s2+$0x10]  }
0x1fe: {  	v8 =	vld [tilespmem:s2+$0x20]  }
0x1ff: {  	s8 =	simm.s32 $0x1A770;
	v9 =	vld [tilespmem:s2+$0xFFFFFFC0]  }
0x200: {  	v11 =	vld [tilespmem:s8+$0x0]  }
0x201: {  	v13 =	vld [tilespmem:s8+$0xFFFFFF90]  }
0x202: {  	v17 =	vld [tilespmem:s8+$0xFFFFFFA0]  }
0x203: {  	v10 =	vld.idx.msk [tilespmem:v0+s3+$0x0], $0xffff  }
0x204: {  	v15 =	vld.idx.msk [tilespmem:v1+s3+$0x0], $0xffff  }
0x205: {  	v5 =	vld.idx.msk [tilespmem:v2+s3+$0x0], $0xffff  }
0x206: {  	v4 =	vld.idx.msk [tilespmem:v3+s3+$0x0], $0xffff  }
0x207: {  	v1 =	vld.idx.msk [tilespmem:v6+s3+$0x0], $0xffff  }
0x208: {  	v0 =	vld.idx.msk [tilespmem:v7+s3+$0x0], $0xffff  }
0x209: {  	v7 =	vld.idx.msk [tilespmem:v9+s3+$0x0], $0xffff  }
0x20a: {  	v2 =	vld.idx.msk [tilespmem:v8+s3+$0x0], $0xffff;
	v16 =	vmul.f32 v11, v10  }
0x20b: {  	v14 =	vld [tilespmem:s8+$0xFFFFFFB0];
	v19 =	vmul.f32 v10, v10;
	v10 =	vmul.f32 v15, v15  }
0x20c: {  	v9 =	vmul.f32 v5, v5;
	v8 =	vmul.f32 v4, v4;
	v11 =	vld [tilespmem:s8+$0xFFFFFFC0]  }
0x20d: {  	s9 =	simm.s32 $0x1D740;
	v12 =	vld [tilespmem:s8+$0xFFFFFFD0];
	v6 =	vmul.f32 v1, v1;
	v3 =	vmul.f32 v0, v0  }
0x20e: {  	s10 =	simm.s32 $0x1E740;
	v18 =	vmul.f32 v13, v7;
	v13 =	vld [tilespmem:s8+$0xFFFFFFE0];
	v17 =	vmul.f32 v17, v15;
	[tilespmem:s9+$0x30] =	vst v16  }
0x20f: {  	s11 =	simm.s32 $0x1C7C0;
	s2 =	simm.s32 $0x0;
	v15 =	vld [tilespmem:s8+$0xFFFFFFF0];
	v16 =	vmul.f32 v7, v7;
	v7 =	vmul.f32 v2, v2;
	[tilespmem:s10+$0x30] =	vst v19  }
.LBB2_14:
0x210: {  	v19 =	vld [tilespmem:s11+$0x30];
	[tilespmem:s9+$0xFFFFFFC0] =	vst v18;
	v5 =	vmul.f32 v14, v5  }
0x211: {  	s2 =	sadd.s32 $0x8, s2;
	v14 =	vld [tilespmem:s11+$0xFFFFFFD0];
	[tilespmem:s10+$0xFFFFFFC0] =	vst v16;
	v4 =	vmul.f32 v11, v4  }
0x212: {  	p0 =	slt.u32 s2, $0xF8;
	v11 =	vld [tilespmem:s11+$0xFFFFFFE0];
	[tilespmem:s9+$0xFFFFFFD0] =	vst v17;
	v1 =	vmul.f32 v12, v1  }
0x213: {  	v12 =	vld [tilespmem:s11+$0xFFFFFFF0];
	[tilespmem:s10+$0xFFFFFFD0] =	vst v10;
	v0 =	vmul.f32 v13, v0  }
0x214: {  	v10 =	vld [tilespmem:s11+$0x0];
	[tilespmem:s9+$0xFFFFFFE0] =	vst v5;
	v2 =	vmul.f32 v15, v2  }
0x215: {  	v13 =	vld [tilespmem:s11+$0x10];
	[tilespmem:s10+$0xFFFFFFE0] =	vst v9  }
0x216: {  	v9 =	vld [tilespmem:s11+$0x20];
	[tilespmem:s9+$0xFFFFFFF0] =	vst v4  }
0x217: {  	v15 =	vld [tilespmem:s11+$0xFFFFFFC0];
	[tilespmem:s10+$0xFFFFFFF0] =	vst v8  }
0x218: {  	s8 =	sadd.s32 $0x80, s8;
	v8 =	vld.idx.msk [tilespmem:v19+s3+$0x0], $0xffff;
	[tilespmem:s9+$0x0] =	vst v1  }
0x219: {  	v16 =	vld [tilespmem:s8+$0x0];
	[tilespmem:s10+$0x0] =	vst v6  }
0x21a: {  	v17 =	vld.idx.msk [tilespmem:v14+s3+$0x0], $0xffff;
	[tilespmem:s9+$0x10] =	vst v0  }
0x21b: {  	v5 =	vld.idx.msk [tilespmem:v11+s3+$0x0], $0xffff;
	[tilespmem:s10+$0x10] =	vst v3  }
0x21c: {  	v4 =	vld.idx.msk [tilespmem:v12+s3+$0x0], $0xffff;
	[tilespmem:s9+$0x20] =	vst v2  }
0x21d: {  	v1 =	vld.idx.msk [tilespmem:v10+s3+$0x0], $0xffff;
	[tilespmem:s10+$0x20] =	vst v7  }
0x21e: {  	v0 =	vld.idx.msk [tilespmem:v13+s3+$0x0], $0xffff;
	v3 =	vmul.f32 v16, v8  }
0x21f: {  	s9 =	sadd.s32 $0x80, s9;
	v6 =	vmul.f32 v8, v8;
	v7 =	vld.idx.msk [tilespmem:v15+s3+$0x0], $0xffff  }
0x220: {  	s10 =	sadd.s32 $0x80, s10;
	v10 =	vmul.f32 v17, v17;
	v2 =	vld.idx.msk [tilespmem:v9+s3+$0x0], $0xffff;
	[tilespmem:s9+$0x30] =	vst v3  }
0x221: {  	v9 =	vmul.f32 v5, v5;
	v13 =	vld [tilespmem:s8+$0xFFFFFF90];
	[tilespmem:s10+$0x30] =	vst v6  }
0x222: {  	v8 =	vmul.f32 v4, v4;
	v15 =	vld [tilespmem:s8+$0xFFFFFFA0]  }
.Ltmp6:
0x223: {  	v6 =	vmul.f32 v1, v1;
	v14 =	vld [tilespmem:s8+$0xFFFFFFB0];
	(pc) =	sbr.rel @p0 .LBB2_14-.Ltmp6, $4  }
0x224: {  	v3 =	vmul.f32 v0, v0;
	v11 =	vld [tilespmem:s8+$0xFFFFFFC0]  }
0x225: {  	v16 =	vmul.f32 v7, v7;
	v12 =	vld [tilespmem:s8+$0xFFFFFFD0]  }
0x226: {  	v18 =	vmul.f32 v13, v7;
	v13 =	vld [tilespmem:s8+$0xFFFFFFE0];
	v7 =	vmul.f32 v2, v2  }
0x227: {  	s11 =	sadd.s32 $0x80, s11;
	v17 =	vmul.f32 v15, v17;
	v15 =	vld [tilespmem:s8+$0xFFFFFFF0]  }
0x228: {  	[tilespmem:s9+$0xFFFFFFC0] =	vst v18  }
0x229: {  	[tilespmem:s10+$0xFFFFFFC0] =	vst v16  }
0x22a: {  	v5 =	vmul.f32 v14, v5;
	[tilespmem:s9+$0xFFFFFFD0] =	vst v17  }
0x22b: {  	[tilespmem:s10+$0xFFFFFFD0] =	vst v10  }
0x22c: {  	v4 =	vmul.f32 v11, v4;
	[tilespmem:s9+$0xFFFFFFE0] =	vst v5  }
0x22d: {  	[tilespmem:s10+$0xFFFFFFE0] =	vst v9  }
0x22e: {  	v1 =	vmul.f32 v12, v1;
	[tilespmem:s9+$0xFFFFFFF0] =	vst v4  }
0x22f: {  	[tilespmem:s10+$0xFFFFFFF0] =	vst v8  }
0x230: {  	v0 =	vmul.f32 v13, v0;
	[tilespmem:s9+$0x0] =	vst v1  }
0x231: {  	[tilespmem:s10+$0x0] =	vst v6  }
0x232: {  	v1 =	vmul.f32 v15, v2;
	[tilespmem:s9+$0x10] =	vst v0  }
0x233: {  	[tilespmem:s10+$0x10] =	vst v3  }
0x234: {  	[tilespmem:s9+$0x20] =	vst v1  }
0x235: {  	[tilespmem:s10+$0x20] =	vst v7  }
0x236: {  	[hbm4b:s20+s29] =	stream.strided.scatter [tilespmem:s5], [sflag:$0x2], $0x1000, s30, s29, $0x38;
	[tilespmem:$0x1F700] =	vst v63  }
0x237: {  	_ =	swait.ge [sflag:s4], $0x1000  }
0x238: {  	[sflag:s4] =	ssyncset.done $0x0  }
0x239: {  	[sflag:s4] =	ssyncadd.s32 $0xFFFFF000  }
0x23a: {  	[hbm4b:s22+s29] =	stream.strided.scatter [tilespmem:s6], [sflag:$0x2], $0x1000, s30, s29, $0x38;
	[tilespmem:$0x1F700] =	vst v63  }
0x23b: {  	_ =	swait.ge [sflag:s4], $0x1000  }
0x23c: {  	[sflag:s4] =	ssyncset.done $0x0  }
0x23d: {  	[sflag:s4] =	ssyncadd.s32 $0xFFFFF000  }
0x23e: {  	[tilespmem:s1], [sflag:$0x2] =	stream.linear.gather [hbm4b:s28+s3], $0x1000, $0x38;
	[tilespmem:$0x1F700] =	vst v63  }
0x23f: {  	_ =	swait.ge [sflag:s4], $0x1000  }
0x240: {  	[sflag:s4] =	ssyncset.done $0x0  }
0x241: {  	s2 =	simm.s32 $0x1C740;
	[sflag:s4] =	ssyncadd.s32 $0xFFFFF000  }
0x242: {  	v0 =	vld [tilespmem:s2+$0x30]  }
0x243: {  	v1 =	vld [tilespmem:s2+$0xFFFFFFD0]  }
0x244: {  	v2 =	vld [tilespmem:s2+$0xFFFFFFE0]  }
0x245: {  	v3 =	vld [tilespmem:s2+$0xFFFFFFF0]  }
0x246: {  	v6 =	vld [tilespmem:s2+$0x0]  }
0x247: {  	v7 =	vld [tilespmem:s2+$0x10]  }
0x248: {  	v8 =	vld [tilespmem:s2+$0x20]  }
0x249: {  	s8 =	simm.s32 $0x1B770;
	v9 =	vld [tilespmem:s2+$0xFFFFFFC0]  }
0x24a: {  	v11 =	vld [tilespmem:s8+$0x0]  }
0x24b: {  	v13 =	vld [tilespmem:s8+$0xFFFFFF90]  }
0x24c: {  	v17 =	vld [tilespmem:s8+$0xFFFFFFA0]  }
0x24d: {  	v10 =	vld.idx.msk [tilespmem:v0+s3+$0x0], $0xffff  }
0x24e: {  	v15 =	vld.idx.msk [tilespmem:v1+s3+$0x0], $0xffff  }
0x24f: {  	v5 =	vld.idx.msk [tilespmem:v2+s3+$0x0], $0xffff  }
0x250: {  	v4 =	vld.idx.msk [tilespmem:v3+s3+$0x0], $0xffff  }
0x251: {  	v1 =	vld.idx.msk [tilespmem:v6+s3+$0x0], $0xffff  }
0x252: {  	v0 =	vld.idx.msk [tilespmem:v7+s3+$0x0], $0xffff  }
0x253: {  	v7 =	vld.idx.msk [tilespmem:v9+s3+$0x0], $0xffff  }
0x254: {  	v2 =	vld.idx.msk [tilespmem:v8+s3+$0x0], $0xffff;
	v16 =	vmul.f32 v11, v10  }
0x255: {  	v14 =	vld [tilespmem:s8+$0xFFFFFFB0];
	v19 =	vmul.f32 v10, v10;
	v10 =	vmul.f32 v15, v15  }
0x256: {  	v9 =	vmul.f32 v5, v5;
	v8 =	vmul.f32 v4, v4;
	v11 =	vld [tilespmem:s8+$0xFFFFFFC0]  }
0x257: {  	s9 =	simm.s32 $0x1D740;
	v12 =	vld [tilespmem:s8+$0xFFFFFFD0];
	v6 =	vmul.f32 v1, v1;
	v3 =	vmul.f32 v0, v0  }
0x258: {  	s10 =	simm.s32 $0x1E740;
	v18 =	vmul.f32 v13, v7;
	v13 =	vld [tilespmem:s8+$0xFFFFFFE0];
	v17 =	vmul.f32 v17, v15;
	[tilespmem:s9+$0x30] =	vst v16  }
0x259: {  	s11 =	simm.s32 $0x1C7C0;
	s2 =	simm.s32 $0x0;
	v15 =	vld [tilespmem:s8+$0xFFFFFFF0];
	v16 =	vmul.f32 v7, v7;
	v7 =	vmul.f32 v2, v2;
	[tilespmem:s10+$0x30] =	vst v19  }
.LBB2_16:
0x25a: {  	v19 =	vld [tilespmem:s11+$0x30];
	[tilespmem:s9+$0xFFFFFFC0] =	vst v18;
	v5 =	vmul.f32 v14, v5  }
0x25b: {  	s2 =	sadd.s32 $0x8, s2;
	v14 =	vld [tilespmem:s11+$0xFFFFFFD0];
	[tilespmem:s10+$0xFFFFFFC0] =	vst v16;
	v4 =	vmul.f32 v11, v4  }
0x25c: {  	p0 =	slt.u32 s2, $0xF8;
	v11 =	vld [tilespmem:s11+$0xFFFFFFE0];
	[tilespmem:s9+$0xFFFFFFD0] =	vst v17;
	v1 =	vmul.f32 v12, v1  }
0x25d: {  	v12 =	vld [tilespmem:s11+$0xFFFFFFF0];
	[tilespmem:s10+$0xFFFFFFD0] =	vst v10;
	v0 =	vmul.f32 v13, v0  }
0x25e: {  	v10 =	vld [tilespmem:s11+$0x0];
	[tilespmem:s9+$0xFFFFFFE0] =	vst v5;
	v2 =	vmul.f32 v15, v2  }
0x25f: {  	v13 =	vld [tilespmem:s11+$0x10];
	[tilespmem:s10+$0xFFFFFFE0] =	vst v9  }
0x260: {  	v9 =	vld [tilespmem:s11+$0x20];
	[tilespmem:s9+$0xFFFFFFF0] =	vst v4  }
0x261: {  	v15 =	vld [tilespmem:s11+$0xFFFFFFC0];
	[tilespmem:s10+$0xFFFFFFF0] =	vst v8  }
0x262: {  	s8 =	sadd.s32 $0x80, s8;
	v8 =	vld.idx.msk [tilespmem:v19+s3+$0x0], $0xffff;
	[tilespmem:s9+$0x0] =	vst v1  }
0x263: {  	v16 =	vld [tilespmem:s8+$0x0];
	[tilespmem:s10+$0x0] =	vst v6  }
0x264: {  	v17 =	vld.idx.msk [tilespmem:v14+s3+$0x0], $0xffff;
	[tilespmem:s9+$0x10] =	vst v0  }
0x265: {  	v5 =	vld.idx.msk [tilespmem:v11+s3+$0x0], $0xffff;
	[tilespmem:s10+$0x10] =	vst v3  }
0x266: {  	v4 =	vld.idx.msk [tilespmem:v12+s3+$0x0], $0xffff;
	[tilespmem:s9+$0x20] =	vst v2  }
0x267: {  	v1 =	vld.idx.msk [tilespmem:v10+s3+$0x0], $0xffff;
	[tilespmem:s10+$0x20] =	vst v7  }
0x268: {  	v0 =	vld.idx.msk [tilespmem:v13+s3+$0x0], $0xffff;
	v3 =	vmul.f32 v16, v8  }
0x269: {  	s9 =	sadd.s32 $0x80, s9;
	v6 =	vmul.f32 v8, v8;
	v7 =	vld.idx.msk [tilespmem:v15+s3+$0x0], $0xffff  }
0x26a: {  	s10 =	sadd.s32 $0x80, s10;
	v10 =	vmul.f32 v17, v17;
	v2 =	vld.idx.msk [tilespmem:v9+s3+$0x0], $0xffff;
	[tilespmem:s9+$0x30] =	vst v3  }
0x26b: {  	v9 =	vmul.f32 v5, v5;
	v13 =	vld [tilespmem:s8+$0xFFFFFF90];
	[tilespmem:s10+$0x30] =	vst v6  }
0x26c: {  	v8 =	vmul.f32 v4, v4;
	v15 =	vld [tilespmem:s8+$0xFFFFFFA0]  }
.Ltmp7:
0x26d: {  	v6 =	vmul.f32 v1, v1;
	v14 =	vld [tilespmem:s8+$0xFFFFFFB0];
	(pc) =	sbr.rel @p0 .LBB2_16-.Ltmp7, $4  }
0x26e: {  	v3 =	vmul.f32 v0, v0;
	v11 =	vld [tilespmem:s8+$0xFFFFFFC0]  }
0x26f: {  	v16 =	vmul.f32 v7, v7;
	v12 =	vld [tilespmem:s8+$0xFFFFFFD0]  }
0x270: {  	v18 =	vmul.f32 v13, v7;
	v13 =	vld [tilespmem:s8+$0xFFFFFFE0];
	v7 =	vmul.f32 v2, v2  }
0x271: {  	s11 =	sadd.s32 $0x80, s11;
	v17 =	vmul.f32 v15, v17;
	v15 =	vld [tilespmem:s8+$0xFFFFFFF0]  }
0x272: {  	[tilespmem:s9+$0xFFFFFFC0] =	vst v18  }
0x273: {  	[tilespmem:s10+$0xFFFFFFC0] =	vst v16  }
0x274: {  	v5 =	vmul.f32 v14, v5;
	[tilespmem:s9+$0xFFFFFFD0] =	vst v17  }
0x275: {  	[tilespmem:s10+$0xFFFFFFD0] =	vst v10  }
0x276: {  	v4 =	vmul.f32 v11, v4;
	[tilespmem:s9+$0xFFFFFFE0] =	vst v5  }
0x277: {  	[tilespmem:s10+$0xFFFFFFE0] =	vst v9  }
0x278: {  	v1 =	vmul.f32 v12, v1;
	[tilespmem:s9+$0xFFFFFFF0] =	vst v4  }
0x279: {  	[tilespmem:s10+$0xFFFFFFF0] =	vst v8  }
0x27a: {  	v0 =	vmul.f32 v13, v0;
	[tilespmem:s9+$0x0] =	vst v1  }
0x27b: {  	[tilespmem:s10+$0x0] =	vst v6  }
0x27c: {  	v63 =	vmul.f32 v15, v2;
	[tilespmem:s9+$0x10] =	vst v0  }
0x27d: {  	[tilespmem:s10+$0x10] =	vst v3  }
0x27e: {  	[tilespmem:s9+$0x20] =	vst v63  }
0x27f: {  	[tilespmem:s10+$0x20] =	vst v7  }
0x280: {  	[hbm4b:s21+s29] =	stream.strided.scatter [tilespmem:s5], [sflag:$0x2], $0x1000, s30, s29, $0x38;
	[tilespmem:$0x1F700] =	vst v63  }
0x281: {  	s7 =	sadd.s32 $0x1, s7;
	_ =	swait.ge [sflag:s4], $0x1000  }
0x282: {  	p0 =	sne.s32 s7, s25;
	[sflag:s4] =	ssyncset.done $0x0  }
.Ltmp8:
0x283: {  	[sflag:s4] =	ssyncadd.s32 $0xFFFFF000;
	(pc) =	sbr.rel @p0 .LBB2_1-.Ltmp8, $4  }
0x284: {  	[hbm4b:s23+s29] =	stream.strided.scatter [tilespmem:s6], [sflag:$0x2], $0x1000, s30, s29, $0x38;
	[tilespmem:$0x1F700] =	vst v63  }
0x285: {  	_ =	swait.ge [sflag:s4], $0x1000  }
0x286: {  	[sflag:s4] =	ssyncset.done $0x0  }
0x287: {  	[sflag:s4] =	ssyncadd.s32 $0xFFFFF000  }
0x288: {  	_ =	sfence.sel $0x180000  }
0x289: {  	[bflag:$0x0] =	sbarrier.arrive $0xFFFF  }
0x28a: {  	_ =	strace $0x90000047  }
0x28b: {  	s0 =	stileid.u32;
	[bflag:$0x2] =	sbarrier.arrive $0xFFFF  }
0x28c: {  	p0 =	sne.s32 s0, $0x0;
	s0 =	rddreg [dreg:$0x4]  }
0x28d: {  	s0 =	sadd.s32 @!p0 $0x100000, s0  }
0x28e: {  	[sflag:s0] =	ssyncadd.tile.s32 @!p0 $0x1;
	_ =	shalt  }
.Lfunc_end2:
_tile_overlayer_lowered:
.L_overlay_start_2:
0x28f: {  	(tag) =	ssettag $0x2  }
0x290: {  	s0 =	rddreg [dreg:$0x0];
	s2 =	stileid.u32  }
0x291: {  	s1 =	rddreg [dreg:$0x1];
	p0 =	sne.s32 s2, $0x0  }
0x292: {  	s3 =	rddreg [dreg:$0x2];
	[bflag:$0x3] =	sbarrier.arrive $0xFFFF;
	s2 =	simm.s32 @!p0 $0x1C02  }
0x293: {  	[timem:s3], [sflag:s2] =	dma.local @!p0 [hbm:s0], s1  }
0x294: {  	s0 =	simm.s32 @!p0 $0x2  }
0x295: {  	_ =	swait.ge @!p0 [sflag:s0], s1  }
0x296: {  	s1 =	ssub.s32 @!p0 $0x0, s1;
	[sflag:s0] =	ssyncset.done @!p0 $0x0  }
0x297: {  	[sflag:s0] =	ssyncadd.s32 @!p0 s1  }
0x298: {  	[bflag:$0x3] =	sbarrier.arrive $0xFFFF  }
0x299: {  	_ =	shalt  }

</sc_bundles>
